<compile_context>
chip_gen: v7x
topology: tpu7x:2x2x1
jax: 0.10.2.dev20260603
libtpu: 0.0.44.dev20260713+nightly
codegen_flags: <defaults>
</compile_context>

<pallas_src>
import functools

import jax
import jax.numpy as jnp
from jax import lax
from jax.experimental import pallas as pl
from jax.experimental.pallas import tpu as pltpu
from jax.experimental.pallas import tpu_sc as plsc

BASE_VOCAB = 100000
EMBED_DIM = 64
PADDED_DIM = 128
SEQ = 200

_info = plsc.get_sparse_core_info()
_NC, _NS, _L = _info.num_cores, _info.num_subcores, _info.num_lanes
_NW = _NC * _NS

_NB = 2
_CHUNK = _NB * SEQ
_SPLITS = ((0, 104), (104, 96))


def _gather_kernel(batch, idx_hbm, table_hbm, out_hbm, idx0, idx1, idx2,
                   rows0, rows1, rows2, isem, gsem, wsem):
    b_per_w = batch // _NW
    n_chunks = b_per_w // _NB
    wid = lax.axis_index("s") * _NC + lax.axis_index("c")
    b_base = wid * b_per_w

    vmax = jnp.full((_L,), BASE_VOCAB - 1, dtype=jnp.int32)
    vmin = jnp.zeros((_L,), dtype=jnp.int32)

    idx_bufs = (idx0, idx1, idx2)
    rows_bufs = (rows0, rows1, rows2)

    def idx_load(i, idx_v):
        return pltpu.async_copy(
            idx_hbm.at[pl.ds((b_base + i * _NB) * SEQ, _CHUNK)], idx_v, isem)

    def drain_idx(i, idx_v):
        pltpu.make_async_copy(
            idx_hbm.at[pl.ds((b_base + i * _NB) * SEQ, _CHUNK)], idx_v,
            isem).wait()

    def clamp_fire(i, idx_v, rows_v):
        for c in range(_CHUNK // _L):
            sl = pl.ds(c * _L, _L)
            idx_v[sl] = jnp.minimum(jnp.maximum(idx_v[sl], vmin), vmax)
        for b in range(_NB):
            for (t0, n) in _SPLITS:
                pltpu.async_copy(
                    table_hbm.at[idx_v.at[pl.ds(b * SEQ + t0, n)]],
                    rows_v.at[b].at[pl.ds(t0, n)],
                    gsem)

    def out_slice(i):
        return out_hbm.at[pl.ds(b_base + i * _NB, _NB)].at[:, :, pl.ds(0, EMBED_DIM)]

    def wait_gathers(i, rows_v):
        pltpu.make_async_copy(out_slice(i), rows_v, gsem).wait()

    def write_out(i, rows_v):
        pltpu.async_copy(rows_v, out_slice(i), wsem)

    def drain_write(i, rows_v):
        pltpu.make_async_copy(rows_v, out_slice(i), wsem).wait()

    idx_load(0, idx0).wait()
    clamp_fire(0, idx0, rows0)
    idx_load(1, idx1)

    def step(i, q):
        @pl.when(i >= 2)
        def _():
            drain_write(i - 2, rows_bufs[(q + 1) % 3])

        @pl.when(i < n_chunks - 1)
        def _():
            drain_idx(i + 1, idx_bufs[(q + 1) % 3])
            clamp_fire(i + 1, idx_bufs[(q + 1) % 3], rows_bufs[(q + 1) % 3])

        wait_gathers(i, rows_bufs[q])

        @pl.when(i < n_chunks - 2)
        def _():
            idx_load(i + 2, idx_bufs[(q + 2) % 3])

        write_out(i, rows_bufs[q])

    n_trips = (n_chunks - 1) // 3

    def body(p, _):
        for q in range(3):
            step(3 * p + q, q)
        return ()

    lax.fori_loop(0, n_trips, body, ())
    for i in range(3 * n_trips, n_chunks):
        step(i, i % 3)
    drain_write(n_chunks - 2, rows_bufs[(n_chunks - 2) % 3])
    drain_write(n_chunks - 1, rows_bufs[(n_chunks - 1) % 3])


@functools.partial(jax.jit, static_argnames=("batch",))
def _embedding_gather(flat_ids, table, batch):
    mesh = plsc.VectorSubcoreMesh(core_axis_name="c", subcore_axis_name="s")
    kern = functools.partial(
        pl.kernel,
        out_type=jax.ShapeDtypeStruct((batch, SEQ, PADDED_DIM), jnp.float32),
        mesh=mesh,
        compiler_params=pltpu.CompilerParams(use_tc_tiling_on_sc=False),
        scratch_types=[
            pltpu.VMEM((_CHUNK,), jnp.int32),
            pltpu.VMEM((_CHUNK,), jnp.int32),
            pltpu.VMEM((_CHUNK,), jnp.int32),
            pltpu.VMEM((_NB, SEQ, EMBED_DIM), jnp.float32),
            pltpu.VMEM((_NB, SEQ, EMBED_DIM), jnp.float32),
            pltpu.VMEM((_NB, SEQ, EMBED_DIM), jnp.float32),
            pltpu.SemaphoreType.DMA,
            pltpu.SemaphoreType.DMA,
            pltpu.SemaphoreType.DMA,
        ],
    )(functools.partial(_gather_kernel, batch))
    return kern(flat_ids, table)


def kernel(token_ids, emb0, emb1, emb2):
    B, T = token_ids.shape
    flat_ids = token_ids.reshape(B * T).astype(jnp.int32)
    out_padded = _embedding_gather(flat_ids, emb0, B)
    return out_padded[:, :, :EMBED_DIM]

# --- scband reference (transcript-rebuilt; emitter-appended) ---
"""Pipeline reference for scband-hierarchical-embedding2-50680614093527 (READ-ONLY COPY).

The authoritative reference and input builder live on the scoring server;
editing this copy changes nothing except your own understanding.
"""

import jax, jax.numpy as jnp
import numpy as np

BASE_VOCAB = 100000
EMBED_DIM = 64
MAX_LEVELS = 3

def setup_inputs(seed: int = 0) -> dict:
    key = jax.random.key(seed)
    k_idx, k0, k1, k2 = jax.random.split(key, 4)
    token_ids = jax.random.randint(k_idx, (4096, 200), 0, BASE_VOCAB, dtype=jnp.int64 if jax.config.read('jax_enable_x64') else jnp.int32)
    # embedding tables for each level (only level 0 is used in forward with default level=0)
    emb0 = jax.random.normal(k0, (BASE_VOCAB, EMBED_DIM), dtype=jnp.float32)
    emb1 = jax.random.normal(k1, (BASE_VOCAB, EMBED_DIM), dtype=jnp.float32)
    emb2 = jax.random.normal(k2, (BASE_VOCAB, EMBED_DIM), dtype=jnp.float32)
    return {"token_ids": token_ids, "emb0": emb0, "emb1": emb1, "emb2": emb2}

def reference(token_ids, emb0, emb1, emb2):
    # forward(token_ids, level=0): clamp ids to valid range, then lookup in level-0 table.
    level = 0
    tables = (emb0, emb1, emb2)
    table = tables[level]
    valid_vocab_size = table.shape[0]
    ids = jnp.clip(token_ids, 0, valid_vocab_size - 1)
    return jnp.take(table, ids, axis=0)

if __name__ == "__main__":
    import jax
    _d = setup_inputs()
    print(jax.jit(kernel)(*tuple(_d.values())))

</pallas_src>

<mosaic_0001>
#map = affine_map<(d0, d1) -> (0)>
#map1 = affine_map<(d0, d1) -> (0, 0)>
#map2 = affine_map<(d0, d1) -> (0, 0, 0)>
module attributes {stable_mosaic.version = 14 : i64} {
  func.func @_gather_kernel(%arg0: i32, %arg1: i32, %arg2: memref<819200xi32, #tpu.memory_space<hbm>>, %arg3: memref<100000x64xf32, #tpu.memory_space<hbm>>, %arg4: memref<4096x200x128xf32, #tpu.memory_space<hbm>>, %arg5: memref<400xi32, #tpu.memory_space<vmem>>, %arg6: memref<400xi32, #tpu.memory_space<vmem>>, %arg7: memref<400xi32, #tpu.memory_space<vmem>>, %arg8: memref<2x200x64xf32, #tpu.memory_space<vmem>>, %arg9: memref<2x200x64xf32, #tpu.memory_space<vmem>>, %arg10: memref<2x200x64xf32, #tpu.memory_space<vmem>>, %arg11: memref<!tpu.dma_semaphore, #tpu.memory_space<semaphore_mem>>, %arg12: memref<!tpu.dma_semaphore, #tpu.memory_space<semaphore_mem>>, %arg13: memref<!tpu.dma_semaphore, #tpu.memory_space<semaphore_mem>>) attributes {dimension_semantics = [#tpu.dimension_semantics<core_parallel>, #tpu.dimension_semantics<subcore_parallel>], iteration_bounds = array<i64: 2, 16>, scalar_prefetch = 0 : i64, scratch_operands = 9 : i64, tpu.core_type = #tpu.core_type<sc_vector_subcore>, window_params = [{transform_indices = #map}, {transform_indices = #map1}, {transform_indices = #map2}]} {
    %mul3A = arith.constant 2 : i32
    %mul3A_0 = arith.muli %arg1, %mul3A : i32
    %add3A = arith.addi %mul3A_0, %arg0 : i32
    %mul3A_1 = arith.constant 128 : i32
    %mul3A_2 = arith.muli %add3A, %mul3A_1 : i32
    %broadcast_in_dim3A = arith.constant 99999 : i32
    %broadcast_in_dim3A_3 = vector.broadcast %broadcast_in_dim3A : i32 to vector<16xi32>
    %broadcast_in_dim3A_4 = arith.constant 0 : i32
    %broadcast_in_dim3A_5 = vector.broadcast %broadcast_in_dim3A_4 : i32 to vector<16xi32>
    %add3A_6 = arith.constant 0 : i32
    %add3A_7 = arith.addi %mul3A_2, %add3A_6 : i32
    %mul3A_8 = arith.constant 200 : i32
    %mul3A_9 = arith.muli %add3A_7, %mul3A_8 : i32
    %dma_start3A = tpu.memref_slice %arg2[%mul3A_9] : memref<819200xi32, #tpu.memory_space<hbm>> -> memref<400xi32, #tpu.memory_space<hbm>>
    %dma_start3A_10 = tpu.memref_slice %arg2[%mul3A_9] : memref<819200xi32, #tpu.memory_space<hbm>> -> memref<400xi32, #tpu.memory_space<hbm>>
    tpu.enqueue_dma source(%dma_start3A_10 : memref<400xi32, #tpu.memory_space<hbm>>) target(%arg5 : memref<400xi32, #tpu.memory_space<vmem>>) target_semaphore(%arg11 : memref<!tpu.dma_semaphore, #tpu.memory_space<semaphore_mem>>)
    %dma_wait3A = tpu.memref_slice %arg2[%mul3A_9] : memref<819200xi32, #tpu.memory_space<hbm>> -> memref<400xi32, #tpu.memory_space<hbm>>
    %dma_wait3A_11 = tpu.memref_slice %arg2[%mul3A_9] : memref<819200xi32, #tpu.memory_space<hbm>> -> memref<400xi32, #tpu.memory_space<hbm>>
    tpu.wait_dma2 semaphore(%arg11 : memref<!tpu.dma_semaphore, #tpu.memory_space<semaphore_mem>>) src(%dma_wait3A_11 : memref<400xi32, #tpu.memory_space<hbm>>) dst(%arg5 : memref<400xi32, #tpu.memory_space<vmem>>)
    %get3A = arith.constant 0 : index
    %get3A_12 = tpu.vector_load %arg5[%get3A] {strides = array<i32>} : memref<400xi32, #tpu.memory_space<vmem>>, vector<16xi32>,
    %get3A_13 = vector.shape_cast %get3A_12 : vector<16xi32> to vector<16xi32>
    %max3A = arith.maxsi %get3A_13, %broadcast_in_dim3A_5 : vector<16xi32>
    %min3A = arith.minsi %max3A, %broadcast_in_dim3A_3 : vector<16xi32>
    %swap3A = arith.constant 0 : index
    %swap3A_14 = tpu.vector_load %arg5[%swap3A] {strides = array<i32>} : memref<400xi32, #tpu.memory_space<vmem>>, vector<16xi32>,
    %swap3A_15 = vector.shape_cast %swap3A_14 : vector<16xi32> to vector<16xi32>
    %swap3A_16 = vector.shape_cast %min3A : vector<16xi32> to vector<16xi32>
    tpu.vector_store %arg5[%swap3A], %swap3A_16 {strides = array<i32>} : memref<400xi32, #tpu.memory_space<vmem>>, vector<16xi32>,
    %get3A_17 = arith.constant 16 : index
    %get3A_18 = tpu.vector_load %arg5[%get3A_17] {strides = array<i32>} : memref<400xi32, #tpu.memory_space<vmem>>, vector<16xi32>,
    %get3A_19 = vector.shape_cast %get3A_18 : vector<16xi32> to vector<16xi32>
    %max3A_20 = arith.maxsi %get3A_19, %broadcast_in_dim3A_5 : vector<16xi32>
    %min3A_21 = arith.minsi %max3A_20, %broadcast_in_dim3A_3 : vector<16xi32>
    %swap3A_22 = arith.constant 16 : index
    %swap3A_23 = tpu.vector_load %arg5[%swap3A_22] {strides = array<i32>} : memref<400xi32, #tpu.memory_space<vmem>>, vector<16xi32>,
    %swap3A_24 = vector.shape_cast %swap3A_23 : vector<16xi32> to vector<16xi32>
    %swap3A_25 = vector.shape_cast %min3A_21 : vector<16xi32> to vector<16xi32>
    tpu.vector_store %arg5[%swap3A_22], %swap3A_25 {strides = array<i32>} : memref<400xi32, #tpu.memory_space<vmem>>, vector<16xi32>,
    %get3A_26 = arith.constant 32 : index
    %get3A_27 = tpu.vector_load %arg5[%get3A_26] {strides = array<i32>} : memref<400xi32, #tpu.memory_space<vmem>>, vector<16xi32>,
    %get3A_28 = vector.shape_cast %get3A_27 : vector<16xi32> to vector<16xi32>
    %max3A_29 = arith.maxsi %get3A_28, %broadcast_in_dim3A_5 : vector<16xi32>
    %min3A_30 = arith.minsi %max3A_29, %broadcast_in_dim3A_3 : vector<16xi32>
    %swap3A_31 = arith.constant 32 : index
    %swap3A_32 = tpu.vector_load %arg5[%swap3A_31] {strides = array<i32>} : memref<400xi32, #tpu.memory_space<vmem>>, vector<16xi32>,
    %swap3A_33 = vector.shape_cast %swap3A_32 : vector<16xi32> to vector<16xi32>
    %swap3A_34 = vector.shape_cast %min3A_30 : vector<16xi32> to vector<16xi32>
    tpu.vector_store %arg5[%swap3A_31], %swap3A_34 {strides = array<i32>} : memref<400xi32, #tpu.memory_space<vmem>>, vector<16xi32>,
    %get3A_35 = arith.constant 48 : index
    %get3A_36 = tpu.vector_load %arg5[%get3A_35] {strides = array<i32>} : memref<400xi32, #tpu.memory_space<vmem>>, vector<16xi32>,
    %get3A_37 = vector.shape_cast %get3A_36 : vector<16xi32> to vector<16xi32>
    %max3A_38 = arith.maxsi %get3A_37, %broadcast_in_dim3A_5 : vector<16xi32>
    %min3A_39 = arith.minsi %max3A_38, %broadcast_in_dim3A_3 : vector<16xi32>
    %swap3A_40 = arith.constant 48 : index
    %swap3A_41 = tpu.vector_load %arg5[%swap3A_40] {strides = array<i32>} : memref<400xi32, #tpu.memory_space<vmem>>, vector<16xi32>,
    %swap3A_42 = vector.shape_cast %swap3A_41 : vector<16xi32> to vector<16xi32>
    %swap3A_43 = vector.shape_cast %min3A_39 : vector<16xi32> to vector<16xi32>
    tpu.vector_store %arg5[%swap3A_40], %swap3A_43 {strides = array<i32>} : memref<400xi32, #tpu.memory_space<vmem>>, vector<16xi32>,
    %get3A_44 = arith.constant 64 : index
    %get3A_45 = tpu.vector_load %arg5[%get3A_44] {strides = array<i32>} : memref<400xi32, #tpu.memory_space<vmem>>, vector<16xi32>,
    %get3A_46 = vector.shape_cast %get3A_45 : vector<16xi32> to vector<16xi32>
    %max3A_47 = arith.maxsi %get3A_46, %broadcast_in_dim3A_5 : vector<16xi32>
    %min3A_48 = arith.minsi %max3A_47, %broadcast_in_dim3A_3 : vector<16xi32>
    %swap3A_49 = arith.constant 64 : index
    %swap3A_50 = tpu.vector_load %arg5[%swap3A_49] {strides = array<i32>} : memref<400xi32, #tpu.memory_space<vmem>>, vector<16xi32>,
    %swap3A_51 = vector.shape_cast %swap3A_50 : vector<16xi32> to vector<16xi32>
    %swap3A_52 = vector.shape_cast %min3A_48 : vector<16xi32> to vector<16xi32>
    tpu.vector_store %arg5[%swap3A_49], %swap3A_52 {strides = array<i32>} : memref<400xi32, #tpu.memory_space<vmem>>, vector<16xi32>,
    %get3A_53 = arith.constant 80 : index
    %get3A_54 = tpu.vector_load %arg5[%get3A_53] {strides = array<i32>} : memref<400xi32, #tpu.memory_space<vmem>>, vector<16xi32>,
    %get3A_55 = vector.shape_cast %get3A_54 : vector<16xi32> to vector<16xi32>
    %max3A_56 = arith.maxsi %get3A_55, %broadcast_in_dim3A_5 : vector<16xi32>
    %min3A_57 = arith.minsi %max3A_56, %broadcast_in_dim3A_3 : vector<16xi32>
    %swap3A_58 = arith.constant 80 : index
    %swap3A_59 = tpu.vector_load %arg5[%swap3A_58] {strides = array<i32>} : memref<400xi32, #tpu.memory_space<vmem>>, vector<16xi32>,
    %swap3A_60 = vector.shape_cast %swap3A_59 : vector<16xi32> to vector<16xi32>
    %swap3A_61 = vector.shape_cast %min3A_57 : vector<16xi32> to vector<16xi32>
    tpu.vector_store %arg5[%swap3A_58], %swap3A_61 {strides = array<i32>} : memref<400xi32, #tpu.memory_space<vmem>>, vector<16xi32>,
    %get3A_62 = arith.constant 96 : index
    %get3A_63 = tpu.vector_load %arg5[%get3A_62] {strides = array<i32>} : memref<400xi32, #tpu.memory_space<vmem>>, vector<16xi32>,
    %get3A_64 = vector.shape_cast %get3A_63 : vector<16xi32> to vector<16xi32>
    %max3A_65 = arith.maxsi %get3A_64, %broadcast_in_dim3A_5 : vector<16xi32>
    %min3A_66 = arith.minsi %max3A_65, %broadcast_in_dim3A_3 : vector<16xi32>
    %swap3A_67 = arith.constant 96 : index
    %swap3A_68 = tpu.vector_load %arg5[%swap3A_67] {strides = array<i32>} : memref<400xi32, #tpu.memory_space<vmem>>, vector<16xi32>,
    %swap3A_69 = vector.shape_cast %swap3A_68 : vector<16xi32> to vector<16xi32>
    %swap3A_70 = vector.shape_cast %min3A_66 : vector<16xi32> to vector<16xi32>
    tpu.vector_store %arg5[%swap3A_67], %swap3A_70 {strides = array<i32>} : memref<400xi32, #tpu.memory_space<vmem>>, vector<16xi32>,
    %get3A_71 = arith.constant 112 : index
    %get3A_72 = tpu.vector_load %arg5[%get3A_71] {strides = array<i32>} : memref<400xi32, #tpu.memory_space<vmem>>, vector<16xi32>,
    %get3A_73 = vector.shape_cast %get3A_72 : vector<16xi32> to vector<16xi32>
    %max3A_74 = arith.maxsi %get3A_73, %broadcast_in_dim3A_5 : vector<16xi32>
    %min3A_75 = arith.minsi %max3A_74, %broadcast_in_dim3A_3 : vector<16xi32>
    %swap3A_76 = arith.constant 112 : index
    %swap3A_77 = tpu.vector_load %arg5[%swap3A_76] {strides = array<i32>} : memref<400xi32, #tpu.memory_space<vmem>>, vector<16xi32>,
    %swap3A_78 = vector.shape_cast %swap3A_77 : vector<16xi32> to vector<16xi32>
    %swap3A_79 = vector.shape_cast %min3A_75 : vector<16xi32> to vector<16xi32>
    tpu.vector_store %arg5[%swap3A_76], %swap3A_79 {strides = array<i32>} : memref<400xi32, #tpu.memory_space<vmem>>, vector<16xi32>,
    %get3A_80 = arith.constant 128 : index
    %get3A_81 = tpu.vector_load %arg5[%get3A_80] {strides = array<i32>} : memref<400xi32, #tpu.memory_space<vmem>>, vector<16xi32>,
    %get3A_82 = vector.shape_cast %get3A_81 : vector<16xi32> to vector<16xi32>
    %max3A_83 = arith.maxsi %get3A_82, %broadcast_in_dim3A_5 : vector<16xi32>
    %min3A_84 = arith.minsi %max3A_83, %broadcast_in_dim3A_3 : vector<16xi32>
    %swap3A_85 = arith.constant 128 : index
    %swap3A_86 = tpu.vector_load %arg5[%swap3A_85] {strides = array<i32>} : memref<400xi32, #tpu.memory_space<vmem>>, vector<16xi32>,
    %swap3A_87 = vector.shape_cast %swap3A_86 : vector<16xi32> to vector<16xi32>
    %swap3A_88 = vector.shape_cast %min3A_84 : vector<16xi32> to vector<16xi32>
    tpu.vector_store %arg5[%swap3A_85], %swap3A_88 {strides = array<i32>} : memref<400xi32, #tpu.memory_space<vmem>>, vector<16xi32>,
    %get3A_89 = arith.constant 144 : index
    %get3A_90 = tpu.vector_load %arg5[%get3A_89] {strides = array<i32>} : memref<400xi32, #tpu.memory_space<vmem>>, vector<16xi32>,
    %get3A_91 = vector.shape_cast %get3A_90 : vector<16xi32> to vector<16xi32>
    %max3A_92 = arith.maxsi %get3A_91, %broadcast_in_dim3A_5 : vector<16xi32>
    %min3A_93 = arith.minsi %max3A_92, %broadcast_in_dim3A_3 : vector<16xi32>
    %swap3A_94 = arith.constant 144 : index
    %swap3A_95 = tpu.vector_load %arg5[%swap3A_94] {strides = array<i32>} : memref<400xi32, #tpu.memory_space<vmem>>, vector<16xi32>,
    %swap3A_96 = vector.shape_cast %swap3A_95 : vector<16xi32> to vector<16xi32>
    %swap3A_97 = vector.shape_cast %min3A_93 : vector<16xi32> to vector<16xi32>
    tpu.vector_store %arg5[%swap3A_94], %swap3A_97 {strides = array<i32>} : memref<400xi32, #tpu.memory_space<vmem>>, vector<16xi32>,
    %get3A_98 = arith.constant 160 : index
    %get3A_99 = tpu.vector_load %arg5[%get3A_98] {strides = array<i32>} : memref<400xi32, #tpu.memory_space<vmem>>, vector<16xi32>,
    %get3A_100 = vector.shape_cast %get3A_99 : vector<16xi32> to vector<16xi32>
    %max3A_101 = arith.maxsi %get3A_100, %broadcast_in_dim3A_5 : vector<16xi32>
    %min3A_102 = arith.minsi %max3A_101, %broadcast_in_dim3A_3 : vector<16xi32>
    %swap3A_103 = arith.constant 160 : index
    %swap3A_104 = tpu.vector_load %arg5[%swap3A_103] {strides = array<i32>} : memref<400xi32, #tpu.memory_space<vmem>>, vector<16xi32>,
    %swap3A_105 = vector.shape_cast %swap3A_104 : vector<16xi32> to vector<16xi32>
    %swap3A_106 = vector.shape_cast %min3A_102 : vector<16xi32> to vector<16xi32>
    tpu.vector_store %arg5[%swap3A_103], %swap3A_106 {strides = array<i32>} : memref<400xi32, #tpu.memory_space<vmem>>, vector<16xi32>,
    %get3A_107 = arith.constant 176 : index
    %get3A_108 = tpu.vector_load %arg5[%get3A_107] {strides = array<i32>} : memref<400xi32, #tpu.memory_space<vmem>>, vector<16xi32>,
    %get3A_109 = vector.shape_cast %get3A_108 : vector<16xi32> to vector<16xi32>
    %max3A_110 = arith.maxsi %get3A_109, %broadcast_in_dim3A_5 : vector<16xi32>
    %min3A_111 = arith.minsi %max3A_110, %broadcast_in_dim3A_3 : vector<16xi32>
    %swap3A_112 = arith.constant 176 : index
    %swap3A_113 = tpu.vector_load %arg5[%swap3A_112] {strides = array<i32>} : memref<400xi32, #tpu.memory_space<vmem>>, vector<16xi32>,
    %swap3A_114 = vector.shape_cast %swap3A_113 : vector<16xi32> to vector<16xi32>
    %swap3A_115 = vector.shape_cast %min3A_111 : vector<16xi32> to vector<16xi32>
    tpu.vector_store %arg5[%swap3A_112], %swap3A_115 {strides = array<i32>} : memref<400xi32, #tpu.memory_space<vmem>>, vector<16xi32>,
    %get3A_116 = arith.constant 192 : index
    %get3A_117 = tpu.vector_load %arg5[%get3A_116] {strides = array<i32>} : memref<400xi32, #tpu.memory_space<vmem>>, vector<16xi32>,
    %get3A_118 = vector.shape_cast %get3A_117 : vector<16xi32> to vector<16xi32>
    %max3A_119 = arith.maxsi %get3A_118, %broadcast_in_dim3A_5 : vector<16xi32>
    %min3A_120 = arith.minsi %max3A_119, %broadcast_in_dim3A_3 : vector<16xi32>
    %swap3A_121 = arith.constant 192 : index
    %swap3A_122 = tpu.vector_load %arg5[%swap3A_121] {strides = array<i32>} : memref<400xi32, #tpu.memory_space<vmem>>, vector<16xi32>,
    %swap3A_123 = vector.shape_cast %swap3A_122 : vector<16xi32> to vector<16xi32>
    %swap3A_124 = vector.shape_cast %min3A_120 : vector<16xi32> to vector<16xi32>
    tpu.vector_store %arg5[%swap3A_121], %swap3A_124 {strides = array<i32>} : memref<400xi32, #tpu.memory_space<vmem>>, vector<16xi32>,
    %get3A_125 = arith.constant 208 : index
    %get3A_126 = tpu.vector_load %arg5[%get3A_125] {strides = array<i32>} : memref<400xi32, #tpu.memory_space<vmem>>, vector<16xi32>,
    %get3A_127 = vector.shape_cast %get3A_126 : vector<16xi32> to vector<16xi32>
    %max3A_128 = arith.maxsi %get3A_127, %broadcast_in_dim3A_5 : vector<16xi32>
    %min3A_129 = arith.minsi %max3A_128, %broadcast_in_dim3A_3 : vector<16xi32>
    %swap3A_130 = arith.constant 208 : index
    %swap3A_131 = tpu.vector_load %arg5[%swap3A_130] {strides = array<i32>} : memref<400xi32, #tpu.memory_space<vmem>>, vector<16xi32>,
    %swap3A_132 = vector.shape_cast %swap3A_131 : vector<16xi32> to vector<16xi32>
    %swap3A_133 = vector.shape_cast %min3A_129 : vector<16xi32> to vector<16xi32>
    tpu.vector_store %arg5[%swap3A_130], %swap3A_133 {strides = array<i32>} : memref<400xi32, #tpu.memory_space<vmem>>, vector<16xi32>,
    %get3A_134 = arith.constant 224 : index
    %get3A_135 = tpu.vector_load %arg5[%get3A_134] {strides = array<i32>} : memref<400xi32, #tpu.memory_space<vmem>>, vector<16xi32>,
    %get3A_136 = vector.shape_cast %get3A_135 : vector<16xi32> to vector<16xi32>
    %max3A_137 = arith.maxsi %get3A_136, %broadcast_in_dim3A_5 : vector<16xi32>
    %min3A_138 = arith.minsi %max3A_137, %broadcast_in_dim3A_3 : vector<16xi32>
    %swap3A_139 = arith.constant 224 : index
    %swap3A_140 = tpu.vector_load %arg5[%swap3A_139] {strides = array<i32>} : memref<400xi32, #tpu.memory_space<vmem>>, vector<16xi32>,
    %swap3A_141 = vector.shape_cast %swap3A_140 : vector<16xi32> to vector<16xi32>
    %swap3A_142 = vector.shape_cast %min3A_138 : vector<16xi32> to vector<16xi32>
    tpu.vector_store %arg5[%swap3A_139], %swap3A_142 {strides = array<i32>} : memref<400xi32, #tpu.memory_space<vmem>>, vector<16xi32>,
    %get3A_143 = arith.constant 240 : index
    %get3A_144 = tpu.vector_load %arg5[%get3A_143] {strides = array<i32>} : memref<400xi32, #tpu.memory_space<vmem>>, vector<16xi32>,
    %get3A_145 = vector.shape_cast %get3A_144 : vector<16xi32> to vector<16xi32>
    %max3A_146 = arith.maxsi %get3A_145, %broadcast_in_dim3A_5 : vector<16xi32>
    %min3A_147 = arith.minsi %max3A_146, %broadcast_in_dim3A_3 : vector<16xi32>
    %swap3A_148 = arith.constant 240 : index
    %swap3A_149 = tpu.vector_load %arg5[%swap3A_148] {strides = array<i32>} : memref<400xi32, #tpu.memory_space<vmem>>, vector<16xi32>,
    %swap3A_150 = vector.shape_cast %swap3A_149 : vector<16xi32> to vector<16xi32>
    %swap3A_151 = vector.shape_cast %min3A_147 : vector<16xi32> to vector<16xi32>
    tpu.vector_store %arg5[%swap3A_148], %swap3A_151 {strides = array<i32>} : memref<400xi32, #tpu.memory_space<vmem>>, vector<16xi32>,
    %get3A_152 = arith.constant 256 : index
    %get3A_153 = tpu.vector_load %arg5[%get3A_152] {strides = array<i32>} : memref<400xi32, #tpu.memory_space<vmem>>, vector<16xi32>,
    %get3A_154 = vector.shape_cast %get3A_153 : vector<16xi32> to vector<16xi32>
    %max3A_155 = arith.maxsi %get3A_154, %broadcast_in_dim3A_5 : vector<16xi32>
    %min3A_156 = arith.minsi %max3A_155, %broadcast_in_dim3A_3 : vector<16xi32>
    %swap3A_157 = arith.constant 256 : index
    %swap3A_158 = tpu.vector_load %arg5[%swap3A_157] {strides = array<i32>} : memref<400xi32, #tpu.memory_space<vmem>>, vector<16xi32>,
    %swap3A_159 = vector.shape_cast %swap3A_158 : vector<16xi32> to vector<16xi32>
    %swap3A_160 = vector.shape_cast %min3A_156 : vector<16xi32> to vector<16xi32>
    tpu.vector_store %arg5[%swap3A_157], %swap3A_160 {strides = array<i32>} : memref<400xi32, #tpu.memory_space<vmem>>, vector<16xi32>,
    %get3A_161 = arith.constant 272 : index
    %get3A_162 = tpu.vector_load %arg5[%get3A_161] {strides = array<i32>} : memref<400xi32, #tpu.memory_space<vmem>>, vector<16xi32>,
    %get3A_163 = vector.shape_cast %get3A_162 : vector<16xi32> to vector<16xi32>
    %max3A_164 = arith.maxsi %get3A_163, %broadcast_in_dim3A_5 : vector<16xi32>
    %min3A_165 = arith.minsi %max3A_164, %broadcast_in_dim3A_3 : vector<16xi32>
    %swap3A_166 = arith.constant 272 : index
    %swap3A_167 = tpu.vector_load %arg5[%swap3A_166] {strides = array<i32>} : memref<400xi32, #tpu.memory_space<vmem>>, vector<16xi32>,
    %swap3A_168 = vector.shape_cast %swap3A_167 : vector<16xi32> to vector<16xi32>
    %swap3A_169 = vector.shape_cast %min3A_165 : vector<16xi32> to vector<16xi32>
    tpu.vector_store %arg5[%swap3A_166], %swap3A_169 {strides = array<i32>} : memref<400xi32, #tpu.memory_space<vmem>>, vector<16xi32>,
    %get3A_170 = arith.constant 288 : index
    %get3A_171 = tpu.vector_load %arg5[%get3A_170] {strides = array<i32>} : memref<400xi32, #tpu.memory_space<vmem>>, vector<16xi32>,
    %get3A_172 = vector.shape_cast %get3A_171 : vector<16xi32> to vector<16xi32>
    %max3A_173 = arith.maxsi %get3A_172, %broadcast_in_dim3A_5 : vector<16xi32>
    %min3A_174 = arith.minsi %max3A_173, %broadcast_in_dim3A_3 : vector<16xi32>
    %swap3A_175 = arith.constant 288 : index
    %swap3A_176 = tpu.vector_load %arg5[%swap3A_175] {strides = array<i32>} : memref<400xi32, #tpu.memory_space<vmem>>, vector<16xi32>,
    %swap3A_177 = vector.shape_cast %swap3A_176 : vector<16xi32> to vector<16xi32>
    %swap3A_178 = vector.shape_cast %min3A_174 : vector<16xi32> to vector<16xi32>
    tpu.vector_store %arg5[%swap3A_175], %swap3A_178 {strides = array<i32>} : memref<400xi32, #tpu.memory_space<vmem>>, vector<16xi32>,
    %get3A_179 = arith.constant 304 : index
    %get3A_180 = tpu.vector_load %arg5[%get3A_179] {strides = array<i32>} : memref<400xi32, #tpu.memory_space<vmem>>, vector<16xi32>,
    %get3A_181 = vector.shape_cast %get3A_180 : vector<16xi32> to vector<16xi32>
    %max3A_182 = arith.maxsi %get3A_181, %broadcast_in_dim3A_5 : vector<16xi32>
    %min3A_183 = arith.minsi %max3A_182, %broadcast_in_dim3A_3 : vector<16xi32>
    %swap3A_184 = arith.constant 304 : index
    %swap3A_185 = tpu.vector_load %arg5[%swap3A_184] {strides = array<i32>} : memref<400xi32, #tpu.memory_space<vmem>>, vector<16xi32>,
    %swap3A_186 = vector.shape_cast %swap3A_185 : vector<16xi32> to vector<16xi32>
    %swap3A_187 = vector.shape_cast %min3A_183 : vector<16xi32> to vector<16xi32>
    tpu.vector_store %arg5[%swap3A_184], %swap3A_187 {strides = array<i32>} : memref<400xi32, #tpu.memory_space<vmem>>, vector<16xi32>,
    %get3A_188 = arith.constant 320 : index
    %get3A_189 = tpu.vector_load %arg5[%get3A_188] {strides = array<i32>} : memref<400xi32, #tpu.memory_space<vmem>>, vector<16xi32>,
    %get3A_190 = vector.shape_cast %get3A_189 : vector<16xi32> to vector<16xi32>
    %max3A_191 = arith.maxsi %get3A_190, %broadcast_in_dim3A_5 : vector<16xi32>
    %min3A_192 = arith.minsi %max3A_191, %broadcast_in_dim3A_3 : vector<16xi32>
    %swap3A_193 = arith.constant 320 : index
    %swap3A_194 = tpu.vector_load %arg5[%swap3A_193] {strides = array<i32>} : memref<400xi32, #tpu.memory_space<vmem>>, vector<16xi32>,
    %swap3A_195 = vector.shape_cast %swap3A_194 : vector<16xi32> to vector<16xi32>
    %swap3A_196 = vector.shape_cast %min3A_192 : vector<16xi32> to vector<16xi32>
    tpu.vector_store %arg5[%swap3A_193], %swap3A_196 {strides = array<i32>} : memref<400xi32, #tpu.memory_space<vmem>>, vector<16xi32>,
    %get3A_197 = arith.constant 336 : index
    %get3A_198 = tpu.vector_load %arg5[%get3A_197] {strides = array<i32>} : memref<400xi32, #tpu.memory_space<vmem>>, vector<16xi32>,
    %get3A_199 = vector.shape_cast %get3A_198 : vector<16xi32> to vector<16xi32>
    %max3A_200 = arith.maxsi %get3A_199, %broadcast_in_dim3A_5 : vector<16xi32>
    %min3A_201 = arith.minsi %max3A_200, %broadcast_in_dim3A_3 : vector<16xi32>
    %swap3A_202 = arith.constant 336 : index
    %swap3A_203 = tpu.vector_load %arg5[%swap3A_202] {strides = array<i32>} : memref<400xi32, #tpu.memory_space<vmem>>, vector<16xi32>,
    %swap3A_204 = vector.shape_cast %swap3A_203 : vector<16xi32> to vector<16xi32>
    %swap3A_205 = vector.shape_cast %min3A_201 : vector<16xi32> to vector<16xi32>
    tpu.vector_store %arg5[%swap3A_202], %swap3A_205 {strides = array<i32>} : memref<400xi32, #tpu.memory_space<vmem>>, vector<16xi32>,
    %get3A_206 = arith.constant 352 : index
    %get3A_207 = tpu.vector_load %arg5[%get3A_206] {strides = array<i32>} : memref<400xi32, #tpu.memory_space<vmem>>, vector<16xi32>,
    %get3A_208 = vector.shape_cast %get3A_207 : vector<16xi32> to vector<16xi32>
    %max3A_209 = arith.maxsi %get3A_208, %broadcast_in_dim3A_5 : vector<16xi32>
    %min3A_210 = arith.minsi %max3A_209, %broadcast_in_dim3A_3 : vector<16xi32>
    %swap3A_211 = arith.constant 352 : index
    %swap3A_212 = tpu.vector_load %arg5[%swap3A_211] {strides = array<i32>} : memref<400xi32, #tpu.memory_space<vmem>>, vector<16xi32>,
    %swap3A_213 = vector.shape_cast %swap3A_212 : vector<16xi32> to vector<16xi32>
    %swap3A_214 = vector.shape_cast %min3A_210 : vector<16xi32> to vector<16xi32>
    tpu.vector_store %arg5[%swap3A_211], %swap3A_214 {strides = array<i32>} : memref<400xi32, #tpu.memory_space<vmem>>, vector<16xi32>,
    %get3A_215 = arith.constant 368 : index
    %get3A_216 = tpu.vector_load %arg5[%get3A_215] {strides = array<i32>} : memref<400xi32, #tpu.memory_space<vmem>>, vector<16xi32>,
    %get3A_217 = vector.shape_cast %get3A_216 : vector<16xi32> to vector<16xi32>
    %max3A_218 = arith.maxsi %get3A_217, %broadcast_in_dim3A_5 : vector<16xi32>
    %min3A_219 = arith.minsi %max3A_218, %broadcast_in_dim3A_3 : vector<16xi32>
    %swap3A_220 = arith.constant 368 : index
    %swap3A_221 = tpu.vector_load %arg5[%swap3A_220] {strides = array<i32>} : memref<400xi32, #tpu.memory_space<vmem>>, vector<16xi32>,
    %swap3A_222 = vector.shape_cast %swap3A_221 : vector<16xi32> to vector<16xi32>
    %swap3A_223 = vector.shape_cast %min3A_219 : vector<16xi32> to vector<16xi32>
    tpu.vector_store %arg5[%swap3A_220], %swap3A_223 {strides = array<i32>} : memref<400xi32, #tpu.memory_space<vmem>>, vector<16xi32>,
    %get3A_224 = arith.constant 384 : index
    %get3A_225 = tpu.vector_load %arg5[%get3A_224] {strides = array<i32>} : memref<400xi32, #tpu.memory_space<vmem>>, vector<16xi32>,
    %get3A_226 = vector.shape_cast %get3A_225 : vector<16xi32> to vector<16xi32>
    %max3A_227 = arith.maxsi %get3A_226, %broadcast_in_dim3A_5 : vector<16xi32>
    %min3A_228 = arith.minsi %max3A_227, %broadcast_in_dim3A_3 : vector<16xi32>
    %swap3A_229 = arith.constant 384 : index
    %swap3A_230 = tpu.vector_load %arg5[%swap3A_229] {strides = array<i32>} : memref<400xi32, #tpu.memory_space<vmem>>, vector<16xi32>,
    %swap3A_231 = vector.shape_cast %swap3A_230 : vector<16xi32> to vector<16xi32>
    %swap3A_232 = vector.shape_cast %min3A_228 : vector<16xi32> to vector<16xi32>
    tpu.vector_store %arg5[%swap3A_229], %swap3A_232 {strides = array<i32>} : memref<400xi32, #tpu.memory_space<vmem>>, vector<16xi32>,
    %dma_start3A_233 = arith.constant 0 : i32
    %dma_start3A_234 = arith.constant 0 : i32
    %dma_start3A_235 = arith.constant 0 : i32
    %dma_start3A_236 = tpu.memref_slice %arg8[%dma_start3A_233, %dma_start3A_234, %dma_start3A_235] : memref<2x200x64xf32, #tpu.memory_space<vmem>> -> memref<1x200x64xf32, #tpu.memory_space<vmem>>
    %dma_start3A_237 = tpu.memref_squeeze %dma_start3A_236 : memref<1x200x64xf32, #tpu.memory_space<vmem>> -> memref<200x64xf32, #tpu.memory_space<vmem>>
    %dma_start3A_238 = arith.constant 0 : i32
    %dma_start3A_239 = arith.constant 0 : i32
    %dma_start3A_240 = tpu.memref_slice %dma_start3A_237[%dma_start3A_238, %dma_start3A_239] : memref<200x64xf32, #tpu.memory_space<vmem>> -> memref<104x64xf32, #tpu.memory_space<vmem>>
    %dma_start3A_241 = arith.constant 0 : i32
    %dma_start3A_242 = tpu.memref_slice %arg5[%dma_start3A_241] : memref<400xi32, #tpu.memory_space<vmem>> -> memref<104xi32, #tpu.memory_space<vmem>>
    %dma_start3A_243 = arith.constant 0 : i32
    %dma_start3A_244 = arith.constant 0 : i32
    %dma_start3A_245 = tpu.memref_slice %arg3[%dma_start3A_243, %dma_start3A_244] : memref<100000x64xf32, #tpu.memory_space<hbm>> -> memref<100000x64xf32, #tpu.memory_space<hbm>>
    tpu.enqueue_indirect_dma source(%dma_start3A_245 : memref<100000x64xf32, #tpu.memory_space<hbm>>) target(%dma_start3A_240 : memref<104x64xf32, #tpu.memory_space<vmem>>) offsets(%dma_start3A_242 : memref<104xi32, #tpu.memory_space<vmem>>) semaphore(%arg12 : memref<!tpu.dma_semaphore, #tpu.memory_space<semaphore_mem>>)
    %dma_start3A_246 = arith.constant 0 : i32
    %dma_start3A_247 = arith.constant 0 : i32
    %dma_start3A_248 = arith.constant 0 : i32
    %dma_start3A_249 = tpu.memref_slice %arg8[%dma_start3A_246, %dma_start3A_247, %dma_start3A_248] : memref<2x200x64xf32, #tpu.memory_space<vmem>> -> memref<1x200x64xf32, #tpu.memory_space<vmem>>
    %dma_start3A_250 = tpu.memref_squeeze %dma_start3A_249 : memref<1x200x64xf32, #tpu.memory_space<vmem>> -> memref<200x64xf32, #tpu.memory_space<vmem>>
    %dma_start3A_251 = arith.constant 104 : i32
    %dma_start3A_252 = arith.constant 0 : i32
    %dma_start3A_253 = tpu.memref_slice %dma_start3A_250[%dma_start3A_251, %dma_start3A_252] : memref<200x64xf32, #tpu.memory_space<vmem>> -> memref<96x64xf32, #tpu.memory_space<vmem>>
    %dma_start3A_254 = arith.constant 104 : i32
    %dma_start3A_255 = tpu.memref_slice %arg5[%dma_start3A_254] : memref<400xi32, #tpu.memory_space<vmem>> -> memref<96xi32, #tpu.memory_space<vmem>>
    %dma_start3A_256 = arith.constant 0 : i32
    %dma_start3A_257 = arith.constant 0 : i32
    %dma_start3A_258 = tpu.memref_slice %arg3[%dma_start3A_256, %dma_start3A_257] : memref<100000x64xf32, #tpu.memory_space<hbm>> -> memref<100000x64xf32, #tpu.memory_space<hbm>>
    tpu.enqueue_indirect_dma source(%dma_start3A_258 : memref<100000x64xf32, #tpu.memory_space<hbm>>) target(%dma_start3A_253 : memref<96x64xf32, #tpu.memory_space<vmem>>) offsets(%dma_start3A_255 : memref<96xi32, #tpu.memory_space<vmem>>) semaphore(%arg12 : memref<!tpu.dma_semaphore, #tpu.memory_space<semaphore_mem>>)
    %dma_start3A_259 = arith.constant 1 : i32
    %dma_start3A_260 = arith.constant 0 : i32
    %dma_start3A_261 = arith.constant 0 : i32
    %dma_start3A_262 = tpu.memref_slice %arg8[%dma_start3A_259, %dma_start3A_260, %dma_start3A_261] : memref<2x200x64xf32, #tpu.memory_space<vmem>> -> memref<1x200x64xf32, #tpu.memory_space<vmem>>
    %dma_start3A_263 = tpu.memref_squeeze %dma_start3A_262 : memref<1x200x64xf32, #tpu.memory_space<vmem>> -> memref<200x64xf32, #tpu.memory_space<vmem>>
    %dma_start3A_264 = arith.constant 0 : i32
    %dma_start3A_265 = arith.constant 0 : i32
    %dma_start3A_266 = tpu.memref_slice %dma_start3A_263[%dma_start3A_264, %dma_start3A_265] : memref<200x64xf32, #tpu.memory_space<vmem>> -> memref<104x64xf32, #tpu.memory_space<vmem>>
    %dma_start3A_267 = arith.constant 200 : i32
    %dma_start3A_268 = tpu.memref_slice %arg5[%dma_start3A_267] : memref<400xi32, #tpu.memory_space<vmem>> -> memref<104xi32, #tpu.memory_space<vmem>>
    %dma_start3A_269 = arith.constant 0 : i32
    %dma_start3A_270 = arith.constant 0 : i32
    %dma_start3A_271 = tpu.memref_slice %arg3[%dma_start3A_269, %dma_start3A_270] : memref<100000x64xf32, #tpu.memory_space<hbm>> -> memref<100000x64xf32, #tpu.memory_space<hbm>>
    tpu.enqueue_indirect_dma source(%dma_start3A_271 : memref<100000x64xf32, #tpu.memory_space<hbm>>) target(%dma_start3A_266 : memref<104x64xf32, #tpu.memory_space<vmem>>) offsets(%dma_start3A_268 : memref<104xi32, #tpu.memory_space<vmem>>) semaphore(%arg12 : memref<!tpu.dma_semaphore, #tpu.memory_space<semaphore_mem>>)
    %dma_start3A_272 = arith.constant 1 : i32
    %dma_start3A_273 = arith.constant 0 : i32
    %dma_start3A_274 = arith.constant 0 : i32
    %dma_start3A_275 = tpu.memref_slice %arg8[%dma_start3A_272, %dma_start3A_273, %dma_start3A_274] : memref<2x200x64xf32, #tpu.memory_space<vmem>> -> memref<1x200x64xf32, #tpu.memory_space<vmem>>
    %dma_start3A_276 = tpu.memref_squeeze %dma_start3A_275 : memref<1x200x64xf32, #tpu.memory_space<vmem>> -> memref<200x64xf32, #tpu.memory_space<vmem>>
    %dma_start3A_277 = arith.constant 104 : i32
    %dma_start3A_278 = arith.constant 0 : i32
    %dma_start3A_279 = tpu.memref_slice %dma_start3A_276[%dma_start3A_277, %dma_start3A_278] : memref<200x64xf32, #tpu.memory_space<vmem>> -> memref<96x64xf32, #tpu.memory_space<vmem>>
    %dma_start3A_280 = arith.constant 304 : i32
    %dma_start3A_281 = tpu.memref_slice %arg5[%dma_start3A_280] : memref<400xi32, #tpu.memory_space<vmem>> -> memref<96xi32, #tpu.memory_space<vmem>>
    %dma_start3A_282 = arith.constant 0 : i32
    %dma_start3A_283 = arith.constant 0 : i32
    %dma_start3A_284 = tpu.memref_slice %arg3[%dma_start3A_282, %dma_start3A_283] : memref<100000x64xf32, #tpu.memory_space<hbm>> -> memref<100000x64xf32, #tpu.memory_space<hbm>>
    tpu.enqueue_indirect_dma source(%dma_start3A_284 : memref<100000x64xf32, #tpu.memory_space<hbm>>) target(%dma_start3A_279 : memref<96x64xf32, #tpu.memory_space<vmem>>) offsets(%dma_start3A_281 : memref<96xi32, #tpu.memory_space<vmem>>) semaphore(%arg12 : memref<!tpu.dma_semaphore, #tpu.memory_space<semaphore_mem>>)
    %add3A_285 = arith.constant 2 : i32
    %add3A_286 = arith.addi %mul3A_2, %add3A_285 : i32
    %mul3A_287 = arith.constant 200 : i32
    %mul3A_288 = arith.muli %add3A_286, %mul3A_287 : i32
    %dma_start3A_289 = tpu.memref_slice %arg2[%mul3A_288] : memref<819200xi32, #tpu.memory_space<hbm>> -> memref<400xi32, #tpu.memory_space<hbm>>
    %dma_start3A_290 = tpu.memref_slice %arg2[%mul3A_288] : memref<819200xi32, #tpu.memory_space<hbm>> -> memref<400xi32, #tpu.memory_space<hbm>>
    tpu.enqueue_dma source(%dma_start3A_290 : memref<400xi32, #tpu.memory_space<hbm>>) target(%arg6 : memref<400xi32, #tpu.memory_space<vmem>>) target_semaphore(%arg11 : memref<!tpu.dma_semaphore, #tpu.memory_space<semaphore_mem>>)
    %scan3A = arith.constant 0 : i32
    %scan3A_291 = arith.constant 21 : i32
    %scan3A_292 = arith.addi %scan3A, %scan3A_291 : i32
    %scan3A_293 = arith.constant 1 : i32
    scf.for %scan3A_375 = %scan3A to %scan3A_292 step %scan3A_293  : i32 {
      %mul3A_376 = arith.constant 3 : i32
      %mul3A_377 = arith.muli %mul3A_376, %scan3A_375 : i32
      %add3A_378 = arith.constant 0 : i32
      %add3A_379 = arith.addi %mul3A_377, %add3A_378 : i32
      %ge3A = arith.constant 2 : i32
      %ge3A_380 = arith.cmpi sge, %add3A_379, %ge3A : i32
      %convert_element_type3A = arith.extui %ge3A_380 : i1 to i32
      %cond3A = arith.constant 0 : i32
      %cond3A_381 = arith.cmpi ne, %convert_element_type3A, %cond3A : i32
      scf.if %cond3A_381 {
        %sub3A = arith.constant 2 : i32
        %sub3A_531 = arith.subi %add3A_379, %sub3A : i32
        %mul3A_532 = arith.constant 2 : i32
        %mul3A_533 = arith.muli %sub3A_531, %mul3A_532 : i32
        %add3A_534 = arith.addi %mul3A_2, %mul3A_533 : i32
        %dma_wait3A_535 = arith.constant 0 : i32
        %dma_wait3A_536 = arith.constant 0 : i32
        %dma_wait3A_537 = tpu.memref_slice %arg4[%add3A_534, %dma_wait3A_535, %dma_wait3A_536] : memref<4096x200x128xf32, #tpu.memory_space<hbm>> -> memref<2x200x128xf32, #tpu.memory_space<hbm>>
        %dma_wait3A_538 = arith.constant 0 : i32
        %dma_wait3A_539 = arith.constant 0 : i32
        %dma_wait3A_540 = arith.constant 0 : i32
        %dma_wait3A_541 = tpu.memref_slice %dma_wait3A_537[%dma_wait3A_538, %dma_wait3A_539, %dma_wait3A_540] : memref<2x200x128xf32, #tpu.memory_space<hbm>> -> memref<2x200x64xf32, #tpu.memory_space<hbm>>
        %dma_wait3A_542 = arith.constant 0 : i32
        %dma_wait3A_543 = arith.constant 0 : i32
        %dma_wait3A_544 = tpu.memref_slice %arg4[%add3A_534, %dma_wait3A_542, %dma_wait3A_543] : memref<4096x200x128xf32, #tpu.memory_space<hbm>> -> memref<2x200x128xf32, #tpu.memory_space<hbm>>
        %dma_wait3A_545 = arith.constant 0 : i32
        %dma_wait3A_546 = arith.constant 0 : i32
        %dma_wait3A_547 = arith.constant 0 : i32
        %dma_wait3A_548 = tpu.memref_slice %dma_wait3A_544[%dma_wait3A_545, %dma_wait3A_546, %dma_wait3A_547] : memref<2x200x128xf32, #tpu.memory_space<hbm>> -> memref<2x200x64xf32, #tpu.memory_space<hbm>>
        tpu.wait_dma2 semaphore(%arg13 : memref<!tpu.dma_semaphore, #tpu.memory_space<semaphore_mem>>) src(%arg9 : memref<2x200x64xf32, #tpu.memory_space<vmem>>) dst(%dma_wait3A_548 : memref<2x200x64xf32, #tpu.memory_space<hbm>>)
      } else {
      }
      %lt3A = arith.constant 63 : i32
      %lt3A_382 = arith.cmpi slt, %add3A_379, %lt3A : i32
      %convert_element_type3A_383 = arith.extui %lt3A_382 : i1 to i32
      %cond3A_384 = arith.constant 0 : i32
      %cond3A_385 = arith.cmpi ne, %convert_element_type3A_383, %cond3A_384 : i32
      scf.if %cond3A_385 {
        %add3A_531 = arith.constant 1 : i32
        %add3A_532 = arith.addi %add3A_379, %add3A_531 : i32
        %mul3A_533 = arith.constant 2 : i32
        %mul3A_534 = arith.muli %add3A_532, %mul3A_533 : i32
        %add3A_535 = arith.addi %mul3A_2, %mul3A_534 : i32
        %mul3A_536 = arith.constant 200 : i32
        %mul3A_537 = arith.muli %add3A_535, %mul3A_536 : i32
        %dma_wait3A_538 = tpu.memref_slice %arg2[%mul3A_537] : memref<819200xi32, #tpu.memory_space<hbm>> -> memref<400xi32, #tpu.memory_space<hbm>>
        %dma_wait3A_539 = tpu.memref_slice %arg2[%mul3A_537] : memref<819200xi32, #tpu.memory_space<hbm>> -> memref<400xi32, #tpu.memory_space<hbm>>
        tpu.wait_dma2 semaphore(%arg11 : memref<!tpu.dma_semaphore, #tpu.memory_space<semaphore_mem>>) src(%dma_wait3A_539 : memref<400xi32, #tpu.memory_space<hbm>>) dst(%arg6 : memref<400xi32, #tpu.memory_space<vmem>>)
        %add3A_540 = arith.constant 1 : i32
        %add3A_541 = arith.addi %add3A_379, %add3A_540 : i32
        %get3A_542 = arith.constant 0 : index
        %get3A_543 = tpu.vector_load %arg6[%get3A_542] {strides = array<i32>} : memref<400xi32, #tpu.memory_space<vmem>>, vector<16xi32>,
        %get3A_544 = vector.shape_cast %get3A_543 : vector<16xi32> to vector<16xi32>
        %max3A_545 = arith.maxsi %get3A_544, %broadcast_in_dim3A_5 : vector<16xi32>
        %min3A_546 = arith.minsi %max3A_545, %broadcast_in_dim3A_3 : vector<16xi32>
        %swap3A_547 = arith.constant 0 : index
        %swap3A_548 = tpu.vector_load %arg6[%swap3A_547] {strides = array<i32>} : memref<400xi32, #tpu.memory_space<vmem>>, vector<16xi32>,
        %swap3A_549 = vector.shape_cast %swap3A_548 : vector<16xi32> to vector<16xi32>
        %swap3A_550 = vector.shape_cast %min3A_546 : vector<16xi32> to vector<16xi32>
        tpu.vector_store %arg6[%swap3A_547], %swap3A_550 {strides = array<i32>} : memref<400xi32, #tpu.memory_space<vmem>>, vector<16xi32>,
        %get3A_551 = arith.constant 16 : index
        %get3A_552 = tpu.vector_load %arg6[%get3A_551] {strides = array<i32>} : memref<400xi32, #tpu.memory_space<vmem>>, vector<16xi32>,
        %get3A_553 = vector.shape_cast %get3A_552 : vector<16xi32> to vector<16xi32>
        %max3A_554 = arith.maxsi %get3A_553, %broadcast_in_dim3A_5 : vector<16xi32>
        %min3A_555 = arith.minsi %max3A_554, %broadcast_in_dim3A_3 : vector<16xi32>
        %swap3A_556 = arith.constant 16 : index
        %swap3A_557 = tpu.vector_load %arg6[%swap3A_556] {strides = array<i32>} : memref<400xi32, #tpu.memory_space<vmem>>, vector<16xi32>,
        %swap3A_558 = vector.shape_cast %swap3A_557 : vector<16xi32> to vector<16xi32>
        %swap3A_559 = vector.shape_cast %min3A_555 : vector<16xi32> to vector<16xi32>
        tpu.vector_store %arg6[%swap3A_556], %swap3A_559 {strides = array<i32>} : memref<400xi32, #tpu.memory_space<vmem>>, vector<16xi32>,
        %get3A_560 = arith.constant 32 : index
        %get3A_561 = tpu.vector_load %arg6[%get3A_560] {strides = array<i32>} : memref<400xi32, #tpu.memory_space<vmem>>, vector<16xi32>,
        %get3A_562 = vector.shape_cast %get3A_561 : vector<16xi32> to vector<16xi32>
        %max3A_563 = arith.maxsi %get3A_562, %broadcast_in_dim3A_5 : vector<16xi32>
        %min3A_564 = arith.minsi %max3A_563, %broadcast_in_dim3A_3 : vector<16xi32>
        %swap3A_565 = arith.constant 32 : index
        %swap3A_566 = tpu.vector_load %arg6[%swap3A_565] {strides = array<i32>} : memref<400xi32, #tpu.memory_space<vmem>>, vector<16xi32>,
        %swap3A_567 = vector.shape_cast %swap3A_566 : vector<16xi32> to vector<16xi32>
        %swap3A_568 = vector.shape_cast %min3A_564 : vector<16xi32> to vector<16xi32>
        tpu.vector_store %arg6[%swap3A_565], %swap3A_568 {strides = array<i32>} : memref<400xi32, #tpu.memory_space<vmem>>, vector<16xi32>,
        %get3A_569 = arith.constant 48 : index
        %get3A_570 = tpu.vector_load %arg6[%get3A_569] {strides = array<i32>} : memref<400xi32, #tpu.memory_space<vmem>>, vector<16xi32>,
        %get3A_571 = vector.shape_cast %get3A_570 : vector<16xi32> to vector<16xi32>
        %max3A_572 = arith.maxsi %get3A_571, %broadcast_in_dim3A_5 : vector<16xi32>
        %min3A_573 = arith.minsi %max3A_572, %broadcast_in_dim3A_3 : vector<16xi32>
        %swap3A_574 = arith.constant 48 : index
        %swap3A_575 = tpu.vector_load %arg6[%swap3A_574] {strides = array<i32>} : memref<400xi32, #tpu.memory_space<vmem>>, vector<16xi32>,
        %swap3A_576 = vector.shape_cast %swap3A_575 : vector<16xi32> to vector<16xi32>
        %swap3A_577 = vector.shape_cast %min3A_573 : vector<16xi32> to vector<16xi32>
        tpu.vector_store %arg6[%swap3A_574], %swap3A_577 {strides = array<i32>} : memref<400xi32, #tpu.memory_space<vmem>>, vector<16xi32>,
        %get3A_578 = arith.constant 64 : index
        %get3A_579 = tpu.vector_load %arg6[%get3A_578] {strides = array<i32>} : memref<400xi32, #tpu.memory_space<vmem>>, vector<16xi32>,
        %get3A_580 = vector.shape_cast %get3A_579 : vector<16xi32> to vector<16xi32>
        %max3A_581 = arith.maxsi %get3A_580, %broadcast_in_dim3A_5 : vector<16xi32>
        %min3A_582 = arith.minsi %max3A_581, %broadcast_in_dim3A_3 : vector<16xi32>
        %swap3A_583 = arith.constant 64 : index
        %swap3A_584 = tpu.vector_load %arg6[%swap3A_583] {strides = array<i32>} : memref<400xi32, #tpu.memory_space<vmem>>, vector<16xi32>,
        %swap3A_585 = vector.shape_cast %swap3A_584 : vector<16xi32> to vector<16xi32>
        %swap3A_586 = vector.shape_cast %min3A_582 : vector<16xi32> to vector<16xi32>
        tpu.vector_store %arg6[%swap3A_583], %swap3A_586 {strides = array<i32>} : memref<400xi32, #tpu.memory_space<vmem>>, vector<16xi32>,
        %get3A_587 = arith.constant 80 : index
        %get3A_588 = tpu.vector_load %arg6[%get3A_587] {strides = array<i32>} : memref<400xi32, #tpu.memory_space<vmem>>, vector<16xi32>,
        %get3A_589 = vector.shape_cast %get3A_588 : vector<16xi32> to vector<16xi32>
        %max3A_590 = arith.maxsi %get3A_589, %broadcast_in_dim3A_5 : vector<16xi32>
        %min3A_591 = arith.minsi %max3A_590, %broadcast_in_dim3A_3 : vector<16xi32>
        %swap3A_592 = arith.constant 80 : index
        %swap3A_593 = tpu.vector_load %arg6[%swap3A_592] {strides = array<i32>} : memref<400xi32, #tpu.memory_space<vmem>>, vector<16xi32>,
        %swap3A_594 = vector.shape_cast %swap3A_593 : vector<16xi32> to vector<16xi32>
        %swap3A_595 = vector.shape_cast %min3A_591 : vector<16xi32> to vector<16xi32>
        tpu.vector_store %arg6[%swap3A_592], %swap3A_595 {strides = array<i32>} : memref<400xi32, #tpu.memory_space<vmem>>, vector<16xi32>,
        %get3A_596 = arith.constant 96 : index
        %get3A_597 = tpu.vector_load %arg6[%get3A_596] {strides = array<i32>} : memref<400xi32, #tpu.memory_space<vmem>>, vector<16xi32>,
        %get3A_598 = vector.shape_cast %get3A_597 : vector<16xi32> to vector<16xi32>
        %max3A_599 = arith.maxsi %get3A_598, %broadcast_in_dim3A_5 : vector<16xi32>
        %min3A_600 = arith.minsi %max3A_599, %broadcast_in_dim3A_3 : vector<16xi32>
        %swap3A_601 = arith.constant 96 : index
        %swap3A_602 = tpu.vector_load %arg6[%swap3A_601] {strides = array<i32>} : memref<400xi32, #tpu.memory_space<vmem>>, vector<16xi32>,
        %swap3A_603 = vector.shape_cast %swap3A_602 : vector<16xi32> to vector<16xi32>
        %swap3A_604 = vector.shape_cast %min3A_600 : vector<16xi32> to vector<16xi32>
        tpu.vector_store %arg6[%swap3A_601], %swap3A_604 {strides = array<i32>} : memref<400xi32, #tpu.memory_space<vmem>>, vector<16xi32>,
        %get3A_605 = arith.constant 112 : index
        %get3A_606 = tpu.vector_load %arg6[%get3A_605] {strides = array<i32>} : memref<400xi32, #tpu.memory_space<vmem>>, vector<16xi32>,
        %get3A_607 = vector.shape_cast %get3A_606 : vector<16xi32> to vector<16xi32>
        %max3A_608 = arith.maxsi %get3A_607, %broadcast_in_dim3A_5 : vector<16xi32>
        %min3A_609 = arith.minsi %max3A_608, %broadcast_in_dim3A_3 : vector<16xi32>
        %swap3A_610 = arith.constant 112 : index
        %swap3A_611 = tpu.vector_load %arg6[%swap3A_610] {strides = array<i32>} : memref<400xi32, #tpu.memory_space<vmem>>, vector<16xi32>,
        %swap3A_612 = vector.shape_cast %swap3A_611 : vector<16xi32> to vector<16xi32>
        %swap3A_613 = vector.shape_cast %min3A_609 : vector<16xi32> to vector<16xi32>
        tpu.vector_store %arg6[%swap3A_610], %swap3A_613 {strides = array<i32>} : memref<400xi32, #tpu.memory_space<vmem>>, vector<16xi32>,
        %get3A_614 = arith.constant 128 : index
        %get3A_615 = tpu.vector_load %arg6[%get3A_614] {strides = array<i32>} : memref<400xi32, #tpu.memory_space<vmem>>, vector<16xi32>,
        %get3A_616 = vector.shape_cast %get3A_615 : vector<16xi32> to vector<16xi32>
        %max3A_617 = arith.maxsi %get3A_616, %broadcast_in_dim3A_5 : vector<16xi32>
        %min3A_618 = arith.minsi %max3A_617, %broadcast_in_dim3A_3 : vector<16xi32>
        %swap3A_619 = arith.constant 128 : index
        %swap3A_620 = tpu.vector_load %arg6[%swap3A_619] {strides = array<i32>} : memref<400xi32, #tpu.memory_space<vmem>>, vector<16xi32>,
        %swap3A_621 = vector.shape_cast %swap3A_620 : vector<16xi32> to vector<16xi32>
        %swap3A_622 = vector.shape_cast %min3A_618 : vector<16xi32> to vector<16xi32>
        tpu.vector_store %arg6[%swap3A_619], %swap3A_622 {strides = array<i32>} : memref<400xi32, #tpu.memory_space<vmem>>, vector<16xi32>,
        %get3A_623 = arith.constant 144 : index
        %get3A_624 = tpu.vector_load %arg6[%get3A_623] {strides = array<i32>} : memref<400xi32, #tpu.memory_space<vmem>>, vector<16xi32>,
        %get3A_625 = vector.shape_cast %get3A_624 : vector<16xi32> to vector<16xi32>
        %max3A_626 = arith.maxsi %get3A_625, %broadcast_in_dim3A_5 : vector<16xi32>
        %min3A_627 = arith.minsi %max3A_626, %broadcast_in_dim3A_3 : vector<16xi32>
        %swap3A_628 = arith.constant 144 : index
        %swap3A_629 = tpu.vector_load %arg6[%swap3A_628] {strides = array<i32>} : memref<400xi32, #tpu.memory_space<vmem>>, vector<16xi32>,
        %swap3A_630 = vector.shape_cast %swap3A_629 : vector<16xi32> to vector<16xi32>
        %swap3A_631 = vector.shape_cast %min3A_627 : vector<16xi32> to vector<16xi32>
        tpu.vector_store %arg6[%swap3A_628], %swap3A_631 {strides = array<i32>} : memref<400xi32, #tpu.memory_space<vmem>>, vector<16xi32>,
        %get3A_632 = arith.constant 160 : index
        %get3A_633 = tpu.vector_load %arg6[%get3A_632] {strides = array<i32>} : memref<400xi32, #tpu.memory_space<vmem>>, vector<16xi32>,
        %get3A_634 = vector.shape_cast %get3A_633 : vector<16xi32> to vector<16xi32>
        %max3A_635 = arith.maxsi %get3A_634, %broadcast_in_dim3A_5 : vector<16xi32>
        %min3A_636 = arith.minsi %max3A_635, %broadcast_in_dim3A_3 : vector<16xi32>
        %swap3A_637 = arith.constant 160 : index
        %swap3A_638 = tpu.vector_load %arg6[%swap3A_637] {strides = array<i32>} : memref<400xi32, #tpu.memory_space<vmem>>, vector<16xi32>,
        %swap3A_639 = vector.shape_cast %swap3A_638 : vector<16xi32> to vector<16xi32>
        %swap3A_640 = vector.shape_cast %min3A_636 : vector<16xi32> to vector<16xi32>
        tpu.vector_store %arg6[%swap3A_637], %swap3A_640 {strides = array<i32>} : memref<400xi32, #tpu.memory_space<vmem>>, vector<16xi32>,
        %get3A_641 = arith.constant 176 : index
        %get3A_642 = tpu.vector_load %arg6[%get3A_641] {strides = array<i32>} : memref<400xi32, #tpu.memory_space<vmem>>, vector<16xi32>,
        %get3A_643 = vector.shape_cast %get3A_642 : vector<16xi32> to vector<16xi32>
        %max3A_644 = arith.maxsi %get3A_643, %broadcast_in_dim3A_5 : vector<16xi32>
        %min3A_645 = arith.minsi %max3A_644, %broadcast_in_dim3A_3 : vector<16xi32>
        %swap3A_646 = arith.constant 176 : index
        %swap3A_647 = tpu.vector_load %arg6[%swap3A_646] {strides = array<i32>} : memref<400xi32, #tpu.memory_space<vmem>>, vector<16xi32>,
        %swap3A_648 = vector.shape_cast %swap3A_647 : vector<16xi32> to vector<16xi32>
        %swap3A_649 = vector.shape_cast %min3A_645 : vector<16xi32> to vector<16xi32>
        tpu.vector_store %arg6[%swap3A_646], %swap3A_649 {strides = array<i32>} : memref<400xi32, #tpu.memory_space<vmem>>, vector<16xi32>,
        %get3A_650 = arith.constant 192 : index
        %get3A_651 = tpu.vector_load %arg6[%get3A_650] {strides = array<i32>} : memref<400xi32, #tpu.memory_space<vmem>>, vector<16xi32>,
        %get3A_652 = vector.shape_cast %get3A_651 : vector<16xi32> to vector<16xi32>
        %max3A_653 = arith.maxsi %get3A_652, %broadcast_in_dim3A_5 : vector<16xi32>
        %min3A_654 = arith.minsi %max3A_653, %broadcast_in_dim3A_3 : vector<16xi32>
        %swap3A_655 = arith.constant 192 : index
        %swap3A_656 = tpu.vector_load %arg6[%swap3A_655] {strides = array<i32>} : memref<400xi32, #tpu.memory_space<vmem>>, vector<16xi32>,
        %swap3A_657 = vector.shape_cast %swap3A_656 : vector<16xi32> to vector<16xi32>
        %swap3A_658 = vector.shape_cast %min3A_654 : vector<16xi32> to vector<16xi32>
        tpu.vector_store %arg6[%swap3A_655], %swap3A_658 {strides = array<i32>} : memref<400xi32, #tpu.memory_space<vmem>>, vector<16xi32>,
        %get3A_659 = arith.constant 208 : index
        %get3A_660 = tpu.vector_load %arg6[%get3A_659] {strides = array<i32>} : memref<400xi32, #tpu.memory_space<vmem>>, vector<16xi32>,
        %get3A_661 = vector.shape_cast %get3A_660 : vector<16xi32> to vector<16xi32>
        %max3A_662 = arith.maxsi %get3A_661, %broadcast_in_dim3A_5 : vector<16xi32>
        %min3A_663 = arith.minsi %max3A_662, %broadcast_in_dim3A_3 : vector<16xi32>
        %swap3A_664 = arith.constant 208 : index
        %swap3A_665 = tpu.vector_load %arg6[%swap3A_664] {strides = array<i32>} : memref<400xi32, #tpu.memory_space<vmem>>, vector<16xi32>,
        %swap3A_666 = vector.shape_cast %swap3A_665 : vector<16xi32> to vector<16xi32>
        %swap3A_667 = vector.shape_cast %min3A_663 : vector<16xi32> to vector<16xi32>
        tpu.vector_store %arg6[%swap3A_664], %swap3A_667 {strides = array<i32>} : memref<400xi32, #tpu.memory_space<vmem>>, vector<16xi32>,
        %get3A_668 = arith.constant 224 : index
        %get3A_669 = tpu.vector_load %arg6[%get3A_668] {strides = array<i32>} : memref<400xi32, #tpu.memory_space<vmem>>, vector<16xi32>,
        %get3A_670 = vector.shape_cast %get3A_669 : vector<16xi32> to vector<16xi32>
        %max3A_671 = arith.maxsi %get3A_670, %broadcast_in_dim3A_5 : vector<16xi32>
        %min3A_672 = arith.minsi %max3A_671, %broadcast_in_dim3A_3 : vector<16xi32>
        %swap3A_673 = arith.constant 224 : index
        %swap3A_674 = tpu.vector_load %arg6[%swap3A_673] {strides = array<i32>} : memref<400xi32, #tpu.memory_space<vmem>>, vector<16xi32>,
        %swap3A_675 = vector.shape_cast %swap3A_674 : vector<16xi32> to vector<16xi32>
        %swap3A_676 = vector.shape_cast %min3A_672 : vector<16xi32> to vector<16xi32>
        tpu.vector_store %arg6[%swap3A_673], %swap3A_676 {strides = array<i32>} : memref<400xi32, #tpu.memory_space<vmem>>, vector<16xi32>,
        %get3A_677 = arith.constant 240 : index
        %get3A_678 = tpu.vector_load %arg6[%get3A_677] {strides = array<i32>} : memref<400xi32, #tpu.memory_space<vmem>>, vector<16xi32>,
        %get3A_679 = vector.shape_cast %get3A_678 : vector<16xi32> to vector<16xi32>
        %max3A_680 = arith.maxsi %get3A_679, %broadcast_in_dim3A_5 : vector<16xi32>
        %min3A_681 = arith.minsi %max3A_680, %broadcast_in_dim3A_3 : vector<16xi32>
        %swap3A_682 = arith.constant 240 : index
        %swap3A_683 = tpu.vector_load %arg6[%swap3A_682] {strides = array<i32>} : memref<400xi32, #tpu.memory_space<vmem>>, vector<16xi32>,
        %swap3A_684 = vector.shape_cast %swap3A_683 : vector<16xi32> to vector<16xi32>
        %swap3A_685 = vector.shape_cast %min3A_681 : vector<16xi32> to vector<16xi32>
        tpu.vector_store %arg6[%swap3A_682], %swap3A_685 {strides = array<i32>} : memref<400xi32, #tpu.memory_space<vmem>>, vector<16xi32>,
        %get3A_686 = arith.constant 256 : index
        %get3A_687 = tpu.vector_load %arg6[%get3A_686] {strides = array<i32>} : memref<400xi32, #tpu.memory_space<vmem>>, vector<16xi32>,
        %get3A_688 = vector.shape_cast %get3A_687 : vector<16xi32> to vector<16xi32>
        %max3A_689 = arith.maxsi %get3A_688, %broadcast_in_dim3A_5 : vector<16xi32>
        %min3A_690 = arith.minsi %max3A_689, %broadcast_in_dim3A_3 : vector<16xi32>
        %swap3A_691 = arith.constant 256 : index
        %swap3A_692 = tpu.vector_load %arg6[%swap3A_691] {strides = array<i32>} : memref<400xi32, #tpu.memory_space<vmem>>, vector<16xi32>,
        %swap3A_693 = vector.shape_cast %swap3A_692 : vector<16xi32> to vector<16xi32>
        %swap3A_694 = vector.shape_cast %min3A_690 : vector<16xi32> to vector<16xi32>
        tpu.vector_store %arg6[%swap3A_691], %swap3A_694 {strides = array<i32>} : memref<400xi32, #tpu.memory_space<vmem>>, vector<16xi32>,
        %get3A_695 = arith.constant 272 : index
        %get3A_696 = tpu.vector_load %arg6[%get3A_695] {strides = array<i32>} : memref<400xi32, #tpu.memory_space<vmem>>, vector<16xi32>,
        %get3A_697 = vector.shape_cast %get3A_696 : vector<16xi32> to vector<16xi32>
        %max3A_698 = arith.maxsi %get3A_697, %broadcast_in_dim3A_5 : vector<16xi32>
        %min3A_699 = arith.minsi %max3A_698, %broadcast_in_dim3A_3 : vector<16xi32>
        %swap3A_700 = arith.constant 272 : index
        %swap3A_701 = tpu.vector_load %arg6[%swap3A_700] {strides = array<i32>} : memref<400xi32, #tpu.memory_space<vmem>>, vector<16xi32>,
        %swap3A_702 = vector.shape_cast %swap3A_701 : vector<16xi32> to vector<16xi32>
        %swap3A_703 = vector.shape_cast %min3A_699 : vector<16xi32> to vector<16xi32>
        tpu.vector_store %arg6[%swap3A_700], %swap3A_703 {strides = array<i32>} : memref<400xi32, #tpu.memory_space<vmem>>, vector<16xi32>,
        %get3A_704 = arith.constant 288 : index
        %get3A_705 = tpu.vector_load %arg6[%get3A_704] {strides = array<i32>} : memref<400xi32, #tpu.memory_space<vmem>>, vector<16xi32>,
        %get3A_706 = vector.shape_cast %get3A_705 : vector<16xi32> to vector<16xi32>
        %max3A_707 = arith.maxsi %get3A_706, %broadcast_in_dim3A_5 : vector<16xi32>
        %min3A_708 = arith.minsi %max3A_707, %broadcast_in_dim3A_3 : vector<16xi32>
        %swap3A_709 = arith.constant 288 : index
        %swap3A_710 = tpu.vector_load %arg6[%swap3A_709] {strides = array<i32>} : memref<400xi32, #tpu.memory_space<vmem>>, vector<16xi32>,
        %swap3A_711 = vector.shape_cast %swap3A_710 : vector<16xi32> to vector<16xi32>
        %swap3A_712 = vector.shape_cast %min3A_708 : vector<16xi32> to vector<16xi32>
        tpu.vector_store %arg6[%swap3A_709], %swap3A_712 {strides = array<i32>} : memref<400xi32, #tpu.memory_space<vmem>>, vector<16xi32>,
        %get3A_713 = arith.constant 304 : index
        %get3A_714 = tpu.vector_load %arg6[%get3A_713] {strides = array<i32>} : memref<400xi32, #tpu.memory_space<vmem>>, vector<16xi32>,
        %get3A_715 = vector.shape_cast %get3A_714 : vector<16xi32> to vector<16xi32>
        %max3A_716 = arith.maxsi %get3A_715, %broadcast_in_dim3A_5 : vector<16xi32>
        %min3A_717 = arith.minsi %max3A_716, %broadcast_in_dim3A_3 : vector<16xi32>
        %swap3A_718 = arith.constant 304 : index
        %swap3A_719 = tpu.vector_load %arg6[%swap3A_718] {strides = array<i32>} : memref<400xi32, #tpu.memory_space<vmem>>, vector<16xi32>,
        %swap3A_720 = vector.shape_cast %swap3A_719 : vector<16xi32> to vector<16xi32>
        %swap3A_721 = vector.shape_cast %min3A_717 : vector<16xi32> to vector<16xi32>
        tpu.vector_store %arg6[%swap3A_718], %swap3A_721 {strides = array<i32>} : memref<400xi32, #tpu.memory_space<vmem>>, vector<16xi32>,
        %get3A_722 = arith.constant 320 : index
        %get3A_723 = tpu.vector_load %arg6[%get3A_722] {strides = array<i32>} : memref<400xi32, #tpu.memory_space<vmem>>, vector<16xi32>,
        %get3A_724 = vector.shape_cast %get3A_723 : vector<16xi32> to vector<16xi32>
        %max3A_725 = arith.maxsi %get3A_724, %broadcast_in_dim3A_5 : vector<16xi32>
        %min3A_726 = arith.minsi %max3A_725, %broadcast_in_dim3A_3 : vector<16xi32>
        %swap3A_727 = arith.constant 320 : index
        %swap3A_728 = tpu.vector_load %arg6[%swap3A_727] {strides = array<i32>} : memref<400xi32, #tpu.memory_space<vmem>>, vector<16xi32>,
        %swap3A_729 = vector.shape_cast %swap3A_728 : vector<16xi32> to vector<16xi32>
        %swap3A_730 = vector.shape_cast %min3A_726 : vector<16xi32> to vector<16xi32>
        tpu.vector_store %arg6[%swap3A_727], %swap3A_730 {strides = array<i32>} : memref<400xi32, #tpu.memory_space<vmem>>, vector<16xi32>,
        %get3A_731 = arith.constant 336 : index
        %get3A_732 = tpu.vector_load %arg6[%get3A_731] {strides = array<i32>} : memref<400xi32, #tpu.memory_space<vmem>>, vector<16xi32>,
        %get3A_733 = vector.shape_cast %get3A_732 : vector<16xi32> to vector<16xi32>
        %max3A_734 = arith.maxsi %get3A_733, %broadcast_in_dim3A_5 : vector<16xi32>
        %min3A_735 = arith.minsi %max3A_734, %broadcast_in_dim3A_3 : vector<16xi32>
        %swap3A_736 = arith.constant 336 : index
        %swap3A_737 = tpu.vector_load %arg6[%swap3A_736] {strides = array<i32>} : memref<400xi32, #tpu.memory_space<vmem>>, vector<16xi32>,
        %swap3A_738 = vector.shape_cast %swap3A_737 : vector<16xi32> to vector<16xi32>
        %swap3A_739 = vector.shape_cast %min3A_735 : vector<16xi32> to vector<16xi32>
        tpu.vector_store %arg6[%swap3A_736], %swap3A_739 {strides = array<i32>} : memref<400xi32, #tpu.memory_space<vmem>>, vector<16xi32>,
        %get3A_740 = arith.constant 352 : index
        %get3A_741 = tpu.vector_load %arg6[%get3A_740] {strides = array<i32>} : memref<400xi32, #tpu.memory_space<vmem>>, vector<16xi32>,
        %get3A_742 = vector.shape_cast %get3A_741 : vector<16xi32> to vector<16xi32>
        %max3A_743 = arith.maxsi %get3A_742, %broadcast_in_dim3A_5 : vector<16xi32>
        %min3A_744 = arith.minsi %max3A_743, %broadcast_in_dim3A_3 : vector<16xi32>
        %swap3A_745 = arith.constant 352 : index
        %swap3A_746 = tpu.vector_load %arg6[%swap3A_745] {strides = array<i32>} : memref<400xi32, #tpu.memory_space<vmem>>, vector<16xi32>,
        %swap3A_747 = vector.shape_cast %swap3A_746 : vector<16xi32> to vector<16xi32>
        %swap3A_748 = vector.shape_cast %min3A_744 : vector<16xi32> to vector<16xi32>
        tpu.vector_store %arg6[%swap3A_745], %swap3A_748 {strides = array<i32>} : memref<400xi32, #tpu.memory_space<vmem>>, vector<16xi32>,
        %get3A_749 = arith.constant 368 : index
        %get3A_750 = tpu.vector_load %arg6[%get3A_749] {strides = array<i32>} : memref<400xi32, #tpu.memory_space<vmem>>, vector<16xi32>,
        %get3A_751 = vector.shape_cast %get3A_750 : vector<16xi32> to vector<16xi32>
        %max3A_752 = arith.maxsi %get3A_751, %broadcast_in_dim3A_5 : vector<16xi32>
        %min3A_753 = arith.minsi %max3A_752, %broadcast_in_dim3A_3 : vector<16xi32>
        %swap3A_754 = arith.constant 368 : index
        %swap3A_755 = tpu.vector_load %arg6[%swap3A_754] {strides = array<i32>} : memref<400xi32, #tpu.memory_space<vmem>>, vector<16xi32>,
        %swap3A_756 = vector.shape_cast %swap3A_755 : vector<16xi32> to vector<16xi32>
        %swap3A_757 = vector.shape_cast %min3A_753 : vector<16xi32> to vector<16xi32>
        tpu.vector_store %arg6[%swap3A_754], %swap3A_757 {strides = array<i32>} : memref<400xi32, #tpu.memory_space<vmem>>, vector<16xi32>,
        %get3A_758 = arith.constant 384 : index
        %get3A_759 = tpu.vector_load %arg6[%get3A_758] {strides = array<i32>} : memref<400xi32, #tpu.memory_space<vmem>>, vector<16xi32>,
        %get3A_760 = vector.shape_cast %get3A_759 : vector<16xi32> to vector<16xi32>
        %max3A_761 = arith.maxsi %get3A_760, %broadcast_in_dim3A_5 : vector<16xi32>
        %min3A_762 = arith.minsi %max3A_761, %broadcast_in_dim3A_3 : vector<16xi32>
        %swap3A_763 = arith.constant 384 : index
        %swap3A_764 = tpu.vector_load %arg6[%swap3A_763] {strides = array<i32>} : memref<400xi32, #tpu.memory_space<vmem>>, vector<16xi32>,
        %swap3A_765 = vector.shape_cast %swap3A_764 : vector<16xi32> to vector<16xi32>
        %swap3A_766 = vector.shape_cast %min3A_762 : vector<16xi32> to vector<16xi32>
        tpu.vector_store %arg6[%swap3A_763], %swap3A_766 {strides = array<i32>} : memref<400xi32, #tpu.memory_space<vmem>>, vector<16xi32>,
        %dma_start3A_767 = arith.constant 0 : i32
        %dma_start3A_768 = arith.constant 0 : i32
        %dma_start3A_769 = arith.constant 0 : i32
        %dma_start3A_770 = tpu.memref_slice %arg9[%dma_start3A_767, %dma_start3A_768, %dma_start3A_769] : memref<2x200x64xf32, #tpu.memory_space<vmem>> -> memref<1x200x64xf32, #tpu.memory_space<vmem>>
        %dma_start3A_771 = tpu.memref_squeeze %dma_start3A_770 : memref<1x200x64xf32, #tpu.memory_space<vmem>> -> memref<200x64xf32, #tpu.memory_space<vmem>>
        %dma_start3A_772 = arith.constant 0 : i32
        %dma_start3A_773 = arith.constant 0 : i32
        %dma_start3A_774 = tpu.memref_slice %dma_start3A_771[%dma_start3A_772, %dma_start3A_773] : memref<200x64xf32, #tpu.memory_space<vmem>> -> memref<104x64xf32, #tpu.memory_space<vmem>>
        %dma_start3A_775 = arith.constant 0 : i32
        %dma_start3A_776 = tpu.memref_slice %arg6[%dma_start3A_775] : memref<400xi32, #tpu.memory_space<vmem>> -> memref<104xi32, #tpu.memory_space<vmem>>
        %dma_start3A_777 = arith.constant 0 : i32
        %dma_start3A_778 = arith.constant 0 : i32
        %dma_start3A_779 = tpu.memref_slice %arg3[%dma_start3A_777, %dma_start3A_778] : memref<100000x64xf32, #tpu.memory_space<hbm>> -> memref<100000x64xf32, #tpu.memory_space<hbm>>
        tpu.enqueue_indirect_dma source(%dma_start3A_779 : memref<100000x64xf32, #tpu.memory_space<hbm>>) target(%dma_start3A_774 : memref<104x64xf32, #tpu.memory_space<vmem>>) offsets(%dma_start3A_776 : memref<104xi32, #tpu.memory_space<vmem>>) semaphore(%arg12 : memref<!tpu.dma_semaphore, #tpu.memory_space<semaphore_mem>>)
        %dma_start3A_780 = arith.constant 0 : i32
        %dma_start3A_781 = arith.constant 0 : i32
        %dma_start3A_782 = arith.constant 0 : i32
        %dma_start3A_783 = tpu.memref_slice %arg9[%dma_start3A_780, %dma_start3A_781, %dma_start3A_782] : memref<2x200x64xf32, #tpu.memory_space<vmem>> -> memref<1x200x64xf32, #tpu.memory_space<vmem>>
        %dma_start3A_784 = tpu.memref_squeeze %dma_start3A_783 : memref<1x200x64xf32, #tpu.memory_space<vmem>> -> memref<200x64xf32, #tpu.memory_space<vmem>>
        %dma_start3A_785 = arith.constant 104 : i32
        %dma_start3A_786 = arith.constant 0 : i32
        %dma_start3A_787 = tpu.memref_slice %dma_start3A_784[%dma_start3A_785, %dma_start3A_786] : memref<200x64xf32, #tpu.memory_space<vmem>> -> memref<96x64xf32, #tpu.memory_space<vmem>>
        %dma_start3A_788 = arith.constant 104 : i32
        %dma_start3A_789 = tpu.memref_slice %arg6[%dma_start3A_788] : memref<400xi32, #tpu.memory_space<vmem>> -> memref<96xi32, #tpu.memory_space<vmem>>
        %dma_start3A_790 = arith.constant 0 : i32
        %dma_start3A_791 = arith.constant 0 : i32
        %dma_start3A_792 = tpu.memref_slice %arg3[%dma_start3A_790, %dma_start3A_791] : memref<100000x64xf32, #tpu.memory_space<hbm>> -> memref<100000x64xf32, #tpu.memory_space<hbm>>
        tpu.enqueue_indirect_dma source(%dma_start3A_792 : memref<100000x64xf32, #tpu.memory_space<hbm>>) target(%dma_start3A_787 : memref<96x64xf32, #tpu.memory_space<vmem>>) offsets(%dma_start3A_789 : memref<96xi32, #tpu.memory_space<vmem>>) semaphore(%arg12 : memref<!tpu.dma_semaphore, #tpu.memory_space<semaphore_mem>>)
        %dma_start3A_793 = arith.constant 1 : i32
        %dma_start3A_794 = arith.constant 0 : i32
        %dma_start3A_795 = arith.constant 0 : i32
        %dma_start3A_796 = tpu.memref_slice %arg9[%dma_start3A_793, %dma_start3A_794, %dma_start3A_795] : memref<2x200x64xf32, #tpu.memory_space<vmem>> -> memref<1x200x64xf32, #tpu.memory_space<vmem>>
        %dma_start3A_797 = tpu.memref_squeeze %dma_start3A_796 : memref<1x200x64xf32, #tpu.memory_space<vmem>> -> memref<200x64xf32, #tpu.memory_space<vmem>>
        %dma_start3A_798 = arith.constant 0 : i32
        %dma_start3A_799 = arith.constant 0 : i32
        %dma_start3A_800 = tpu.memref_slice %dma_start3A_797[%dma_start3A_798, %dma_start3A_799] : memref<200x64xf32, #tpu.memory_space<vmem>> -> memref<104x64xf32, #tpu.memory_space<vmem>>
        %dma_start3A_801 = arith.constant 200 : i32
        %dma_start3A_802 = tpu.memref_slice %arg6[%dma_start3A_801] : memref<400xi32, #tpu.memory_space<vmem>> -> memref<104xi32, #tpu.memory_space<vmem>>
        %dma_start3A_803 = arith.constant 0 : i32
        %dma_start3A_804 = arith.constant 0 : i32
        %dma_start3A_805 = tpu.memref_slice %arg3[%dma_start3A_803, %dma_start3A_804] : memref<100000x64xf32, #tpu.memory_space<hbm>> -> memref<100000x64xf32, #tpu.memory_space<hbm>>
        tpu.enqueue_indirect_dma source(%dma_start3A_805 : memref<100000x64xf32, #tpu.memory_space<hbm>>) target(%dma_start3A_800 : memref<104x64xf32, #tpu.memory_space<vmem>>) offsets(%dma_start3A_802 : memref<104xi32, #tpu.memory_space<vmem>>) semaphore(%arg12 : memref<!tpu.dma_semaphore, #tpu.memory_space<semaphore_mem>>)
        %dma_start3A_806 = arith.constant 1 : i32
        %dma_start3A_807 = arith.constant 0 : i32
        %dma_start3A_808 = arith.constant 0 : i32
        %dma_start3A_809 = tpu.memref_slice %arg9[%dma_start3A_806, %dma_start3A_807, %dma_start3A_808] : memref<2x200x64xf32, #tpu.memory_space<vmem>> -> memref<1x200x64xf32, #tpu.memory_space<vmem>>
        %dma_start3A_810 = tpu.memref_squeeze %dma_start3A_809 : memref<1x200x64xf32, #tpu.memory_space<vmem>> -> memref<200x64xf32, #tpu.memory_space<vmem>>
        %dma_start3A_811 = arith.constant 104 : i32
        %dma_start3A_812 = arith.constant 0 : i32
        %dma_start3A_813 = tpu.memref_slice %dma_start3A_810[%dma_start3A_811, %dma_start3A_812] : memref<200x64xf32, #tpu.memory_space<vmem>> -> memref<96x64xf32, #tpu.memory_space<vmem>>
        %dma_start3A_814 = arith.constant 304 : i32
        %dma_start3A_815 = tpu.memref_slice %arg6[%dma_start3A_814] : memref<400xi32, #tpu.memory_space<vmem>> -> memref<96xi32, #tpu.memory_space<vmem>>
        %dma_start3A_816 = arith.constant 0 : i32
        %dma_start3A_817 = arith.constant 0 : i32
        %dma_start3A_818 = tpu.memref_slice %arg3[%dma_start3A_816, %dma_start3A_817] : memref<100000x64xf32, #tpu.memory_space<hbm>> -> memref<100000x64xf32, #tpu.memory_space<hbm>>
        tpu.enqueue_indirect_dma source(%dma_start3A_818 : memref<100000x64xf32, #tpu.memory_space<hbm>>) target(%dma_start3A_813 : memref<96x64xf32, #tpu.memory_space<vmem>>) offsets(%dma_start3A_815 : memref<96xi32, #tpu.memory_space<vmem>>) semaphore(%arg12 : memref<!tpu.dma_semaphore, #tpu.memory_space<semaphore_mem>>)
      } else {
      }
      %mul3A_386 = arith.constant 2 : i32
      %mul3A_387 = arith.muli %add3A_379, %mul3A_386 : i32
      %add3A_388 = arith.addi %mul3A_2, %mul3A_387 : i32
      %dma_wait3A_389 = arith.constant 0 : i32
      %dma_wait3A_390 = arith.constant 0 : i32
      %dma_wait3A_391 = tpu.memref_slice %arg4[%add3A_388, %dma_wait3A_389, %dma_wait3A_390] : memref<4096x200x128xf32, #tpu.memory_space<hbm>> -> memref<2x200x128xf32, #tpu.memory_space<hbm>>
      %dma_wait3A_392 = arith.constant 0 : i32
      %dma_wait3A_393 = arith.constant 0 : i32
      %dma_wait3A_394 = arith.constant 0 : i32
      %dma_wait3A_395 = tpu.memref_slice %dma_wait3A_391[%dma_wait3A_392, %dma_wait3A_393, %dma_wait3A_394] : memref<2x200x128xf32, #tpu.memory_space<hbm>> -> memref<2x200x64xf32, #tpu.memory_space<hbm>>
      %dma_wait3A_396 = arith.constant 0 : i32
      %dma_wait3A_397 = arith.constant 0 : i32
      %dma_wait3A_398 = tpu.memref_slice %arg4[%add3A_388, %dma_wait3A_396, %dma_wait3A_397] : memref<4096x200x128xf32, #tpu.memory_space<hbm>> -> memref<2x200x128xf32, #tpu.memory_space<hbm>>
      %dma_wait3A_399 = arith.constant 0 : i32
      %dma_wait3A_400 = arith.constant 0 : i32
      %dma_wait3A_401 = arith.constant 0 : i32
      %dma_wait3A_402 = tpu.memref_slice %dma_wait3A_398[%dma_wait3A_399, %dma_wait3A_400, %dma_wait3A_401] : memref<2x200x128xf32, #tpu.memory_space<hbm>> -> memref<2x200x64xf32, #tpu.memory_space<hbm>>
      tpu.wait_dma2 semaphore(%arg12 : memref<!tpu.dma_semaphore, #tpu.memory_space<semaphore_mem>>) src(%dma_wait3A_402 : memref<2x200x64xf32, #tpu.memory_space<hbm>>) dst(%arg8 : memref<2x200x64xf32, #tpu.memory_space<vmem>>)
      %lt3A_403 = arith.constant 62 : i32
      %lt3A_404 = arith.cmpi slt, %add3A_379, %lt3A_403 : i32
      %convert_element_type3A_405 = arith.extui %lt3A_404 : i1 to i32
      %cond3A_406 = arith.constant 0 : i32
      %cond3A_407 = arith.cmpi ne, %convert_element_type3A_405, %cond3A_406 : i32
      scf.if %cond3A_407 {
        %add3A_531 = arith.constant 2 : i32
        %add3A_532 = arith.addi %add3A_379, %add3A_531 : i32
        %mul3A_533 = arith.constant 2 : i32
        %mul3A_534 = arith.muli %add3A_532, %mul3A_533 : i32
        %add3A_535 = arith.addi %mul3A_2, %mul3A_534 : i32
        %mul3A_536 = arith.constant 200 : i32
        %mul3A_537 = arith.muli %add3A_535, %mul3A_536 : i32
        %dma_start3A_538 = tpu.memref_slice %arg2[%mul3A_537] : memref<819200xi32, #tpu.memory_space<hbm>> -> memref<400xi32, #tpu.memory_space<hbm>>
        %dma_start3A_539 = tpu.memref_slice %arg2[%mul3A_537] : memref<819200xi32, #tpu.memory_space<hbm>> -> memref<400xi32, #tpu.memory_space<hbm>>
        tpu.enqueue_dma source(%dma_start3A_539 : memref<400xi32, #tpu.memory_space<hbm>>) target(%arg7 : memref<400xi32, #tpu.memory_space<vmem>>) target_semaphore(%arg11 : memref<!tpu.dma_semaphore, #tpu.memory_space<semaphore_mem>>)
      } else {
      }
      %mul3A_408 = arith.constant 2 : i32
      %mul3A_409 = arith.muli %add3A_379, %mul3A_408 : i32
      %add3A_410 = arith.addi %mul3A_2, %mul3A_409 : i32
      %dma_start3A_411 = arith.constant 0 : i32
      %dma_start3A_412 = arith.constant 0 : i32
      %dma_start3A_413 = tpu.memref_slice %arg4[%add3A_410, %dma_start3A_411, %dma_start3A_412] : memref<4096x200x128xf32, #tpu.memory_space<hbm>> -> memref<2x200x128xf32, #tpu.memory_space<hbm>>
      %dma_start3A_414 = arith.constant 0 : i32
      %dma_start3A_415 = arith.constant 0 : i32
      %dma_start3A_416 = arith.constant 0 : i32
      %dma_start3A_417 = tpu.memref_slice %dma_start3A_413[%dma_start3A_414, %dma_start3A_415, %dma_start3A_416] : memref<2x200x128xf32, #tpu.memory_space<hbm>> -> memref<2x200x64xf32, #tpu.memory_space<hbm>>
      %dma_start3A_418 = arith.constant 0 : i32
      %dma_start3A_419 = arith.constant 0 : i32
      %dma_start3A_420 = tpu.memref_slice %arg4[%add3A_410, %dma_start3A_418, %dma_start3A_419] : memref<4096x200x128xf32, #tpu.memory_space<hbm>> -> memref<2x200x128xf32, #tpu.memory_space<hbm>>
      %dma_start3A_421 = arith.constant 0 : i32
      %dma_start3A_422 = arith.constant 0 : i32
      %dma_start3A_423 = arith.constant 0 : i32
      %dma_start3A_424 = tpu.memref_slice %dma_start3A_420[%dma_start3A_421, %dma_start3A_422, %dma_start3A_423] : memref<2x200x128xf32, #tpu.memory_space<hbm>> -> memref<2x200x64xf32, #tpu.memory_space<hbm>>
      tpu.enqueue_dma source(%arg8 : memref<2x200x64xf32, #tpu.memory_space<vmem>>) target(%dma_start3A_424 : memref<2x200x64xf32, #tpu.memory_space<hbm>>) target_semaphore(%arg13 : memref<!tpu.dma_semaphore, #tpu.memory_space<semaphore_mem>>)
      %mul3A_425 = arith.constant 3 : i32
      %mul3A_426 = arith.muli %mul3A_425, %scan3A_375 : i32
      %add3A_427 = arith.constant 1 : i32
      %add3A_428 = arith.addi %mul3A_426, %add3A_427 : i32
      %ge3A_429 = arith.constant 2 : i32
      %ge3A_430 = arith.cmpi sge, %add3A_428, %ge3A_429 : i32
      %convert_element_type3A_431 = arith.extui %ge3A_430 : i1 to i32
      %cond3A_432 = arith.constant 0 : i32
      %cond3A_433 = arith.cmpi ne, %convert_element_type3A_431, %cond3A_432 : i32
      scf.if %cond3A_433 {
        %sub3A = arith.constant 2 : i32
        %sub3A_531 = arith.subi %add3A_428, %sub3A : i32
        %mul3A_532 = arith.constant 2 : i32
        %mul3A_533 = arith.muli %sub3A_531, %mul3A_532 : i32
        %add3A_534 = arith.addi %mul3A_2, %mul3A_533 : i32
        %dma_wait3A_535 = arith.constant 0 : i32
        %dma_wait3A_536 = arith.constant 0 : i32
        %dma_wait3A_537 = tpu.memref_slice %arg4[%add3A_534, %dma_wait3A_535, %dma_wait3A_536] : memref<4096x200x128xf32, #tpu.memory_space<hbm>> -> memref<2x200x128xf32, #tpu.memory_space<hbm>>
        %dma_wait3A_538 = arith.constant 0 : i32
        %dma_wait3A_539 = arith.constant 0 : i32
        %dma_wait3A_540 = arith.constant 0 : i32
        %dma_wait3A_541 = tpu.memref_slice %dma_wait3A_537[%dma_wait3A_538, %dma_wait3A_539, %dma_wait3A_540] : memref<2x200x128xf32, #tpu.memory_space<hbm>> -> memref<2x200x64xf32, #tpu.memory_space<hbm>>
        %dma_wait3A_542 = arith.constant 0 : i32
        %dma_wait3A_543 = arith.constant 0 : i32
        %dma_wait3A_544 = tpu.memref_slice %arg4[%add3A_534, %dma_wait3A_542, %dma_wait3A_543] : memref<4096x200x128xf32, #tpu.memory_space<hbm>> -> memref<2x200x128xf32, #tpu.memory_space<hbm>>
        %dma_wait3A_545 = arith.constant 0 : i32
        %dma_wait3A_546 = arith.constant 0 : i32
        %dma_wait3A_547 = arith.constant 0 : i32
        %dma_wait3A_548 = tpu.memref_slice %dma_wait3A_544[%dma_wait3A_545, %dma_wait3A_546, %dma_wait3A_547] : memref<2x200x128xf32, #tpu.memory_space<hbm>> -> memref<2x200x64xf32, #tpu.memory_space<hbm>>
        tpu.wait_dma2 semaphore(%arg13 : memref<!tpu.dma_semaphore, #tpu.memory_space<semaphore_mem>>) src(%arg10 : memref<2x200x64xf32, #tpu.memory_space<vmem>>) dst(%dma_wait3A_548 : memref<2x200x64xf32, #tpu.memory_space<hbm>>)
      } else {
      }
      %lt3A_434 = arith.constant 63 : i32
      %lt3A_435 = arith.cmpi slt, %add3A_428, %lt3A_434 : i32
      %convert_element_type3A_436 = arith.extui %lt3A_435 : i1 to i32
      %cond3A_437 = arith.constant 0 : i32
      %cond3A_438 = arith.cmpi ne, %convert_element_type3A_436, %cond3A_437 : i32
      scf.if %cond3A_438 {
        %add3A_531 = arith.constant 1 : i32
        %add3A_532 = arith.addi %add3A_428, %add3A_531 : i32
        %mul3A_533 = arith.constant 2 : i32
        %mul3A_534 = arith.muli %add3A_532, %mul3A_533 : i32
        %add3A_535 = arith.addi %mul3A_2, %mul3A_534 : i32
        %mul3A_536 = arith.constant 200 : i32
        %mul3A_537 = arith.muli %add3A_535, %mul3A_536 : i32
        %dma_wait3A_538 = tpu.memref_slice %arg2[%mul3A_537] : memref<819200xi32, #tpu.memory_space<hbm>> -> memref<400xi32, #tpu.memory_space<hbm>>
        %dma_wait3A_539 = tpu.memref_slice %arg2[%mul3A_537] : memref<819200xi32, #tpu.memory_space<hbm>> -> memref<400xi32, #tpu.memory_space<hbm>>
        tpu.wait_dma2 semaphore(%arg11 : memref<!tpu.dma_semaphore, #tpu.memory_space<semaphore_mem>>) src(%dma_wait3A_539 : memref<400xi32, #tpu.memory_space<hbm>>) dst(%arg7 : memref<400xi32, #tpu.memory_space<vmem>>)
        %add3A_540 = arith.constant 1 : i32
        %add3A_541 = arith.addi %add3A_428, %add3A_540 : i32
        %get3A_542 = arith.constant 0 : index
        %get3A_543 = tpu.vector_load %arg7[%get3A_542] {strides = array<i32>} : memref<400xi32, #tpu.memory_space<vmem>>, vector<16xi32>,
        %get3A_544 = vector.shape_cast %get3A_543 : vector<16xi32> to vector<16xi32>
        %max3A_545 = arith.maxsi %get3A_544, %broadcast_in_dim3A_5 : vector<16xi32>
        %min3A_546 = arith.minsi %max3A_545, %broadcast_in_dim3A_3 : vector<16xi32>
        %swap3A_547 = arith.constant 0 : index
        %swap3A_548 = tpu.vector_load %arg7[%swap3A_547] {strides = array<i32>} : memref<400xi32, #tpu.memory_space<vmem>>, vector<16xi32>,
        %swap3A_549 = vector.shape_cast %swap3A_548 : vector<16xi32> to vector<16xi32>
        %swap3A_550 = vector.shape_cast %min3A_546 : vector<16xi32> to vector<16xi32>
        tpu.vector_store %arg7[%swap3A_547], %swap3A_550 {strides = array<i32>} : memref<400xi32, #tpu.memory_space<vmem>>, vector<16xi32>,
        %get3A_551 = arith.constant 16 : index
        %get3A_552 = tpu.vector_load %arg7[%get3A_551] {strides = array<i32>} : memref<400xi32, #tpu.memory_space<vmem>>, vector<16xi32>,
        %get3A_553 = vector.shape_cast %get3A_552 : vector<16xi32> to vector<16xi32>
        %max3A_554 = arith.maxsi %get3A_553, %broadcast_in_dim3A_5 : vector<16xi32>
        %min3A_555 = arith.minsi %max3A_554, %broadcast_in_dim3A_3 : vector<16xi32>
        %swap3A_556 = arith.constant 16 : index
        %swap3A_557 = tpu.vector_load %arg7[%swap3A_556] {strides = array<i32>} : memref<400xi32, #tpu.memory_space<vmem>>, vector<16xi32>,
        %swap3A_558 = vector.shape_cast %swap3A_557 : vector<16xi32> to vector<16xi32>
        %swap3A_559 = vector.shape_cast %min3A_555 : vector<16xi32> to vector<16xi32>
        tpu.vector_store %arg7[%swap3A_556], %swap3A_559 {strides = array<i32>} : memref<400xi32, #tpu.memory_space<vmem>>, vector<16xi32>,
        %get3A_560 = arith.constant 32 : index
        %get3A_561 = tpu.vector_load %arg7[%get3A_560] {strides = array<i32>} : memref<400xi32, #tpu.memory_space<vmem>>, vector<16xi32>,
        %get3A_562 = vector.shape_cast %get3A_561 : vector<16xi32> to vector<16xi32>
        %max3A_563 = arith.maxsi %get3A_562, %broadcast_in_dim3A_5 : vector<16xi32>
        %min3A_564 = arith.minsi %max3A_563, %broadcast_in_dim3A_3 : vector<16xi32>
        %swap3A_565 = arith.constant 32 : index
        %swap3A_566 = tpu.vector_load %arg7[%swap3A_565] {strides = array<i32>} : memref<400xi32, #tpu.memory_space<vmem>>, vector<16xi32>,
        %swap3A_567 = vector.shape_cast %swap3A_566 : vector<16xi32> to vector<16xi32>
        %swap3A_568 = vector.shape_cast %min3A_564 : vector<16xi32> to vector<16xi32>
        tpu.vector_store %arg7[%swap3A_565], %swap3A_568 {strides = array<i32>} : memref<400xi32, #tpu.memory_space<vmem>>, vector<16xi32>,
        %get3A_569 = arith.constant 48 : index
        %get3A_570 = tpu.vector_load %arg7[%get3A_569] {strides = array<i32>} : memref<400xi32, #tpu.memory_space<vmem>>, vector<16xi32>,
        %get3A_571 = vector.shape_cast %get3A_570 : vector<16xi32> to vector<16xi32>
        %max3A_572 = arith.maxsi %get3A_571, %broadcast_in_dim3A_5 : vector<16xi32>
        %min3A_573 = arith.minsi %max3A_572, %broadcast_in_dim3A_3 : vector<16xi32>
        %swap3A_574 = arith.constant 48 : index
        %swap3A_575 = tpu.vector_load %arg7[%swap3A_574] {strides = array<i32>} : memref<400xi32, #tpu.memory_space<vmem>>, vector<16xi32>,
        %swap3A_576 = vector.shape_cast %swap3A_575 : vector<16xi32> to vector<16xi32>
        %swap3A_577 = vector.shape_cast %min3A_573 : vector<16xi32> to vector<16xi32>
        tpu.vector_store %arg7[%swap3A_574], %swap3A_577 {strides = array<i32>} : memref<400xi32, #tpu.memory_space<vmem>>, vector<16xi32>,
        %get3A_578 = arith.constant 64 : index
        %get3A_579 = tpu.vector_load %arg7[%get3A_578] {strides = array<i32>} : memref<400xi32, #tpu.memory_space<vmem>>, vector<16xi32>,
        %get3A_580 = vector.shape_cast %get3A_579 : vector<16xi32> to vector<16xi32>
        %max3A_581 = arith.maxsi %get3A_580, %broadcast_in_dim3A_5 : vector<16xi32>
        %min3A_582 = arith.minsi %max3A_581, %broadcast_in_dim3A_3 : vector<16xi32>
        %swap3A_583 = arith.constant 64 : index
        %swap3A_584 = tpu.vector_load %arg7[%swap3A_583] {strides = array<i32>} : memref<400xi32, #tpu.memory_space<vmem>>, vector<16xi32>,
        %swap3A_585 = vector.shape_cast %swap3A_584 : vector<16xi32> to vector<16xi32>
        %swap3A_586 = vector.shape_cast %min3A_582 : vector<16xi32> to vector<16xi32>
        tpu.vector_store %arg7[%swap3A_583], %swap3A_586 {strides = array<i32>} : memref<400xi32, #tpu.memory_space<vmem>>, vector<16xi32>,
        %get3A_587 = arith.constant 80 : index
        %get3A_588 = tpu.vector_load %arg7[%get3A_587] {strides = array<i32>} : memref<400xi32, #tpu.memory_space<vmem>>, vector<16xi32>,
        %get3A_589 = vector.shape_cast %get3A_588 : vector<16xi32> to vector<16xi32>
        %max3A_590 = arith.maxsi %get3A_589, %broadcast_in_dim3A_5 : vector<16xi32>
        %min3A_591 = arith.minsi %max3A_590, %broadcast_in_dim3A_3 : vector<16xi32>
        %swap3A_592 = arith.constant 80 : index
        %swap3A_593 = tpu.vector_load %arg7[%swap3A_592] {strides = array<i32>} : memref<400xi32, #tpu.memory_space<vmem>>, vector<16xi32>,
        %swap3A_594 = vector.shape_cast %swap3A_593 : vector<16xi32> to vector<16xi32>
        %swap3A_595 = vector.shape_cast %min3A_591 : vector<16xi32> to vector<16xi32>
        tpu.vector_store %arg7[%swap3A_592], %swap3A_595 {strides = array<i32>} : memref<400xi32, #tpu.memory_space<vmem>>, vector<16xi32>,
        %get3A_596 = arith.constant 96 : index
        %get3A_597 = tpu.vector_load %arg7[%get3A_596] {strides = array<i32>} : memref<400xi32, #tpu.memory_space<vmem>>, vector<16xi32>,
        %get3A_598 = vector.shape_cast %get3A_597 : vector<16xi32> to vector<16xi32>
        %max3A_599 = arith.maxsi %get3A_598, %broadcast_in_dim3A_5 : vector<16xi32>
        %min3A_600 = arith.minsi %max3A_599, %broadcast_in_dim3A_3 : vector<16xi32>
        %swap3A_601 = arith.constant 96 : index
        %swap3A_602 = tpu.vector_load %arg7[%swap3A_601] {strides = array<i32>} : memref<400xi32, #tpu.memory_space<vmem>>, vector<16xi32>,
        %swap3A_603 = vector.shape_cast %swap3A_602 : vector<16xi32> to vector<16xi32>
        %swap3A_604 = vector.shape_cast %min3A_600 : vector<16xi32> to vector<16xi32>
        tpu.vector_store %arg7[%swap3A_601], %swap3A_604 {strides = array<i32>} : memref<400xi32, #tpu.memory_space<vmem>>, vector<16xi32>,
        %get3A_605 = arith.constant 112 : index
        %get3A_606 = tpu.vector_load %arg7[%get3A_605] {strides = array<i32>} : memref<400xi32, #tpu.memory_space<vmem>>, vector<16xi32>,
        %get3A_607 = vector.shape_cast %get3A_606 : vector<16xi32> to vector<16xi32>
        %max3A_608 = arith.maxsi %get3A_607, %broadcast_in_dim3A_5 : vector<16xi32>
        %min3A_609 = arith.minsi %max3A_608, %broadcast_in_dim3A_3 : vector<16xi32>
        %swap3A_610 = arith.constant 112 : index
        %swap3A_611 = tpu.vector_load %arg7[%swap3A_610] {strides = array<i32>} : memref<400xi32, #tpu.memory_space<vmem>>, vector<16xi32>,
        %swap3A_612 = vector.shape_cast %swap3A_611 : vector<16xi32> to vector<16xi32>
        %swap3A_613 = vector.shape_cast %min3A_609 : vector<16xi32> to vector<16xi32>
        tpu.vector_store %arg7[%swap3A_610], %swap3A_613 {strides = array<i32>} : memref<400xi32, #tpu.memory_space<vmem>>, vector<16xi32>,
        %get3A_614 = arith.constant 128 : index
        %get3A_615 = tpu.vector_load %arg7[%get3A_614] {strides = array<i32>} : memref<400xi32, #tpu.memory_space<vmem>>, vector<16xi32>,
        %get3A_616 = vector.shape_cast %get3A_615 : vector<16xi32> to vector<16xi32>
        %max3A_617 = arith.maxsi %get3A_616, %broadcast_in_dim3A_5 : vector<16xi32>
        %min3A_618 = arith.minsi %max3A_617, %broadcast_in_dim3A_3 : vector<16xi32>
        %swap3A_619 = arith.constant 128 : index
        %swap3A_620 = tpu.vector_load %arg7[%swap3A_619] {strides = array<i32>} : memref<400xi32, #tpu.memory_space<vmem>>, vector<16xi32>,
        %swap3A_621 = vector.shape_cast %swap3A_620 : vector<16xi32> to vector<16xi32>
        %swap3A_622 = vector.shape_cast %min3A_618 : vector<16xi32> to vector<16xi32>
        tpu.vector_store %arg7[%swap3A_619], %swap3A_622 {strides = array<i32>} : memref<400xi32, #tpu.memory_space<vmem>>, vector<16xi32>,
        %get3A_623 = arith.constant 144 : index
        %get3A_624 = tpu.vector_load %arg7[%get3A_623] {strides = array<i32>} : memref<400xi32, #tpu.memory_space<vmem>>, vector<16xi32>,
        %get3A_625 = vector.shape_cast %get3A_624 : vector<16xi32> to vector<16xi32>
        %max3A_626 = arith.maxsi %get3A_625, %broadcast_in_dim3A_5 : vector<16xi32>
        %min3A_627 = arith.minsi %max3A_626, %broadcast_in_dim3A_3 : vector<16xi32>
        %swap3A_628 = arith.constant 144 : index
        %swap3A_629 = tpu.vector_load %arg7[%swap3A_628] {strides = array<i32>} : memref<400xi32, #tpu.memory_space<vmem>>, vector<16xi32>,
        %swap3A_630 = vector.shape_cast %swap3A_629 : vector<16xi32> to vector<16xi32>
        %swap3A_631 = vector.shape_cast %min3A_627 : vector<16xi32> to vector<16xi32>
        tpu.vector_store %arg7[%swap3A_628], %swap3A_631 {strides = array<i32>} : memref<400xi32, #tpu.memory_space<vmem>>, vector<16xi32>,
        %get3A_632 = arith.constant 160 : index
        %get3A_633 = tpu.vector_load %arg7[%get3A_632] {strides = array<i32>} : memref<400xi32, #tpu.memory_space<vmem>>, vector<16xi32>,
        %get3A_634 = vector.shape_cast %get3A_633 : vector<16xi32> to vector<16xi32>
        %max3A_635 = arith.maxsi %get3A_634, %broadcast_in_dim3A_5 : vector<16xi32>
        %min3A_636 = arith.minsi %max3A_635, %broadcast_in_dim3A_3 : vector<16xi32>
        %swap3A_637 = arith.constant 160 : index
        %swap3A_638 = tpu.vector_load %arg7[%swap3A_637] {strides = array<i32>} : memref<400xi32, #tpu.memory_space<vmem>>, vector<16xi32>,
        %swap3A_639 = vector.shape_cast %swap3A_638 : vector<16xi32> to vector<16xi32>
        %swap3A_640 = vector.shape_cast %min3A_636 : vector<16xi32> to vector<16xi32>
        tpu.vector_store %arg7[%swap3A_637], %swap3A_640 {strides = array<i32>} : memref<400xi32, #tpu.memory_space<vmem>>, vector<16xi32>,
        %get3A_641 = arith.constant 176 : index
        %get3A_642 = tpu.vector_load %arg7[%get3A_641] {strides = array<i32>} : memref<400xi32, #tpu.memory_space<vmem>>, vector<16xi32>,
        %get3A_643 = vector.shape_cast %get3A_642 : vector<16xi32> to vector<16xi32>
        %max3A_644 = arith.maxsi %get3A_643, %broadcast_in_dim3A_5 : vector<16xi32>
        %min3A_645 = arith.minsi %max3A_644, %broadcast_in_dim3A_3 : vector<16xi32>
        %swap3A_646 = arith.constant 176 : index
        %swap3A_647 = tpu.vector_load %arg7[%swap3A_646] {strides = array<i32>} : memref<400xi32, #tpu.memory_space<vmem>>, vector<16xi32>,
        %swap3A_648 = vector.shape_cast %swap3A_647 : vector<16xi32> to vector<16xi32>
        %swap3A_649 = vector.shape_cast %min3A_645 : vector<16xi32> to vector<16xi32>
        tpu.vector_store %arg7[%swap3A_646], %swap3A_649 {strides = array<i32>} : memref<400xi32, #tpu.memory_space<vmem>>, vector<16xi32>,
        %get3A_650 = arith.constant 192 : index
        %get3A_651 = tpu.vector_load %arg7[%get3A_650] {strides = array<i32>} : memref<400xi32, #tpu.memory_space<vmem>>, vector<16xi32>,
        %get3A_652 = vector.shape_cast %get3A_651 : vector<16xi32> to vector<16xi32>
        %max3A_653 = arith.maxsi %get3A_652, %broadcast_in_dim3A_5 : vector<16xi32>
        %min3A_654 = arith.minsi %max3A_653, %broadcast_in_dim3A_3 : vector<16xi32>
        %swap3A_655 = arith.constant 192 : index
        %swap3A_656 = tpu.vector_load %arg7[%swap3A_655] {strides = array<i32>} : memref<400xi32, #tpu.memory_space<vmem>>, vector<16xi32>,
        %swap3A_657 = vector.shape_cast %swap3A_656 : vector<16xi32> to vector<16xi32>
        %swap3A_658 = vector.shape_cast %min3A_654 : vector<16xi32> to vector<16xi32>
        tpu.vector_store %arg7[%swap3A_655], %swap3A_658 {strides = array<i32>} : memref<400xi32, #tpu.memory_space<vmem>>, vector<16xi32>,
        %get3A_659 = arith.constant 208 : index
        %get3A_660 = tpu.vector_load %arg7[%get3A_659] {strides = array<i32>} : memref<400xi32, #tpu.memory_space<vmem>>, vector<16xi32>,
        %get3A_661 = vector.shape_cast %get3A_660 : vector<16xi32> to vector<16xi32>
        %max3A_662 = arith.maxsi %get3A_661, %broadcast_in_dim3A_5 : vector<16xi32>
        %min3A_663 = arith.minsi %max3A_662, %broadcast_in_dim3A_3 : vector<16xi32>
        %swap3A_664 = arith.constant 208 : index
        %swap3A_665 = tpu.vector_load %arg7[%swap3A_664] {strides = array<i32>} : memref<400xi32, #tpu.memory_space<vmem>>, vector<16xi32>,
        %swap3A_666 = vector.shape_cast %swap3A_665 : vector<16xi32> to vector<16xi32>
        %swap3A_667 = vector.shape_cast %min3A_663 : vector<16xi32> to vector<16xi32>
        tpu.vector_store %arg7[%swap3A_664], %swap3A_667 {strides = array<i32>} : memref<400xi32, #tpu.memory_space<vmem>>, vector<16xi32>,
        %get3A_668 = arith.constant 224 : index
        %get3A_669 = tpu.vector_load %arg7[%get3A_668] {strides = array<i32>} : memref<400xi32, #tpu.memory_space<vmem>>, vector<16xi32>,
        %get3A_670 = vector.shape_cast %get3A_669 : vector<16xi32> to vector<16xi32>
        %max3A_671 = arith.maxsi %get3A_670, %broadcast_in_dim3A_5 : vector<16xi32>
        %min3A_672 = arith.minsi %max3A_671, %broadcast_in_dim3A_3 : vector<16xi32>
        %swap3A_673 = arith.constant 224 : index
        %swap3A_674 = tpu.vector_load %arg7[%swap3A_673] {strides = array<i32>} : memref<400xi32, #tpu.memory_space<vmem>>, vector<16xi32>,
        %swap3A_675 = vector.shape_cast %swap3A_674 : vector<16xi32> to vector<16xi32>
        %swap3A_676 = vector.shape_cast %min3A_672 : vector<16xi32> to vector<16xi32>
        tpu.vector_store %arg7[%swap3A_673], %swap3A_676 {strides = array<i32>} : memref<400xi32, #tpu.memory_space<vmem>>, vector<16xi32>,
        %get3A_677 = arith.constant 240 : index
        %get3A_678 = tpu.vector_load %arg7[%get3A_677] {strides = array<i32>} : memref<400xi32, #tpu.memory_space<vmem>>, vector<16xi32>,
        %get3A_679 = vector.shape_cast %get3A_678 : vector<16xi32> to vector<16xi32>
        %max3A_680 = arith.maxsi %get3A_679, %broadcast_in_dim3A_5 : vector<16xi32>
        %min3A_681 = arith.minsi %max3A_680, %broadcast_in_dim3A_3 : vector<16xi32>
        %swap3A_682 = arith.constant 240 : index
        %swap3A_683 = tpu.vector_load %arg7[%swap3A_682] {strides = array<i32>} : memref<400xi32, #tpu.memory_space<vmem>>, vector<16xi32>,
        %swap3A_684 = vector.shape_cast %swap3A_683 : vector<16xi32> to vector<16xi32>
        %swap3A_685 = vector.shape_cast %min3A_681 : vector<16xi32> to vector<16xi32>
        tpu.vector_store %arg7[%swap3A_682], %swap3A_685 {strides = array<i32>} : memref<400xi32, #tpu.memory_space<vmem>>, vector<16xi32>,
        %get3A_686 = arith.constant 256 : index
        %get3A_687 = tpu.vector_load %arg7[%get3A_686] {strides = array<i32>} : memref<400xi32, #tpu.memory_space<vmem>>, vector<16xi32>,
        %get3A_688 = vector.shape_cast %get3A_687 : vector<16xi32> to vector<16xi32>
        %max3A_689 = arith.maxsi %get3A_688, %broadcast_in_dim3A_5 : vector<16xi32>
        %min3A_690 = arith.minsi %max3A_689, %broadcast_in_dim3A_3 : vector<16xi32>
        %swap3A_691 = arith.constant 256 : index
        %swap3A_692 = tpu.vector_load %arg7[%swap3A_691] {strides = array<i32>} : memref<400xi32, #tpu.memory_space<vmem>>, vector<16xi32>,
        %swap3A_693 = vector.shape_cast %swap3A_692 : vector<16xi32> to vector<16xi32>
        %swap3A_694 = vector.shape_cast %min3A_690 : vector<16xi32> to vector<16xi32>
        tpu.vector_store %arg7[%swap3A_691], %swap3A_694 {strides = array<i32>} : memref<400xi32, #tpu.memory_space<vmem>>, vector<16xi32>,
        %get3A_695 = arith.constant 272 : index
        %get3A_696 = tpu.vector_load %arg7[%get3A_695] {strides = array<i32>} : memref<400xi32, #tpu.memory_space<vmem>>, vector<16xi32>,
        %get3A_697 = vector.shape_cast %get3A_696 : vector<16xi32> to vector<16xi32>
        %max3A_698 = arith.maxsi %get3A_697, %broadcast_in_dim3A_5 : vector<16xi32>
        %min3A_699 = arith.minsi %max3A_698, %broadcast_in_dim3A_3 : vector<16xi32>
        %swap3A_700 = arith.constant 272 : index
        %swap3A_701 = tpu.vector_load %arg7[%swap3A_700] {strides = array<i32>} : memref<400xi32, #tpu.memory_space<vmem>>, vector<16xi32>,
        %swap3A_702 = vector.shape_cast %swap3A_701 : vector<16xi32> to vector<16xi32>
        %swap3A_703 = vector.shape_cast %min3A_699 : vector<16xi32> to vector<16xi32>
        tpu.vector_store %arg7[%swap3A_700], %swap3A_703 {strides = array<i32>} : memref<400xi32, #tpu.memory_space<vmem>>, vector<16xi32>,
        %get3A_704 = arith.constant 288 : index
        %get3A_705 = tpu.vector_load %arg7[%get3A_704] {strides = array<i32>} : memref<400xi32, #tpu.memory_space<vmem>>, vector<16xi32>,
        %get3A_706 = vector.shape_cast %get3A_705 : vector<16xi32> to vector<16xi32>
        %max3A_707 = arith.maxsi %get3A_706, %broadcast_in_dim3A_5 : vector<16xi32>
        %min3A_708 = arith.minsi %max3A_707, %broadcast_in_dim3A_3 : vector<16xi32>
        %swap3A_709 = arith.constant 288 : index
        %swap3A_710 = tpu.vector_load %arg7[%swap3A_709] {strides = array<i32>} : memref<400xi32, #tpu.memory_space<vmem>>, vector<16xi32>,
        %swap3A_711 = vector.shape_cast %swap3A_710 : vector<16xi32> to vector<16xi32>
        %swap3A_712 = vector.shape_cast %min3A_708 : vector<16xi32> to vector<16xi32>
        tpu.vector_store %arg7[%swap3A_709], %swap3A_712 {strides = array<i32>} : memref<400xi32, #tpu.memory_space<vmem>>, vector<16xi32>,
        %get3A_713 = arith.constant 304 : index
        %get3A_714 = tpu.vector_load %arg7[%get3A_713] {strides = array<i32>} : memref<400xi32, #tpu.memory_space<vmem>>, vector<16xi32>,
        %get3A_715 = vector.shape_cast %get3A_714 : vector<16xi32> to vector<16xi32>
        %max3A_716 = arith.maxsi %get3A_715, %broadcast_in_dim3A_5 : vector<16xi32>
        %min3A_717 = arith.minsi %max3A_716, %broadcast_in_dim3A_3 : vector<16xi32>
        %swap3A_718 = arith.constant 304 : index
        %swap3A_719 = tpu.vector_load %arg7[%swap3A_718] {strides = array<i32>} : memref<400xi32, #tpu.memory_space<vmem>>, vector<16xi32>,
        %swap3A_720 = vector.shape_cast %swap3A_719 : vector<16xi32> to vector<16xi32>
        %swap3A_721 = vector.shape_cast %min3A_717 : vector<16xi32> to vector<16xi32>
        tpu.vector_store %arg7[%swap3A_718], %swap3A_721 {strides = array<i32>} : memref<400xi32, #tpu.memory_space<vmem>>, vector<16xi32>,
        %get3A_722 = arith.constant 320 : index
        %get3A_723 = tpu.vector_load %arg7[%get3A_722] {strides = array<i32>} : memref<400xi32, #tpu.memory_space<vmem>>, vector<16xi32>,
        %get3A_724 = vector.shape_cast %get3A_723 : vector<16xi32> to vector<16xi32>
        %max3A_725 = arith.maxsi %get3A_724, %broadcast_in_dim3A_5 : vector<16xi32>
        %min3A_726 = arith.minsi %max3A_725, %broadcast_in_dim3A_3 : vector<16xi32>
        %swap3A_727 = arith.constant 320 : index
        %swap3A_728 = tpu.vector_load %arg7[%swap3A_727] {strides = array<i32>} : memref<400xi32, #tpu.memory_space<vmem>>, vector<16xi32>,
        %swap3A_729 = vector.shape_cast %swap3A_728 : vector<16xi32> to vector<16xi32>
        %swap3A_730 = vector.shape_cast %min3A_726 : vector<16xi32> to vector<16xi32>
        tpu.vector_store %arg7[%swap3A_727], %swap3A_730 {strides = array<i32>} : memref<400xi32, #tpu.memory_space<vmem>>, vector<16xi32>,
        %get3A_731 = arith.constant 336 : index
        %get3A_732 = tpu.vector_load %arg7[%get3A_731] {strides = array<i32>} : memref<400xi32, #tpu.memory_space<vmem>>, vector<16xi32>,
        %get3A_733 = vector.shape_cast %get3A_732 : vector<16xi32> to vector<16xi32>
        %max3A_734 = arith.maxsi %get3A_733, %broadcast_in_dim3A_5 : vector<16xi32>
        %min3A_735 = arith.minsi %max3A_734, %broadcast_in_dim3A_3 : vector<16xi32>
        %swap3A_736 = arith.constant 336 : index
        %swap3A_737 = tpu.vector_load %arg7[%swap3A_736] {strides = array<i32>} : memref<400xi32, #tpu.memory_space<vmem>>, vector<16xi32>,
        %swap3A_738 = vector.shape_cast %swap3A_737 : vector<16xi32> to vector<16xi32>
        %swap3A_739 = vector.shape_cast %min3A_735 : vector<16xi32> to vector<16xi32>
        tpu.vector_store %arg7[%swap3A_736], %swap3A_739 {strides = array<i32>} : memref<400xi32, #tpu.memory_space<vmem>>, vector<16xi32>,
        %get3A_740 = arith.constant 352 : index
        %get3A_741 = tpu.vector_load %arg7[%get3A_740] {strides = array<i32>} : memref<400xi32, #tpu.memory_space<vmem>>, vector<16xi32>,
        %get3A_742 = vector.shape_cast %get3A_741 : vector<16xi32> to vector<16xi32>
        %max3A_743 = arith.maxsi %get3A_742, %broadcast_in_dim3A_5 : vector<16xi32>
        %min3A_744 = arith.minsi %max3A_743, %broadcast_in_dim3A_3 : vector<16xi32>
        %swap3A_745 = arith.constant 352 : index
        %swap3A_746 = tpu.vector_load %arg7[%swap3A_745] {strides = array<i32>} : memref<400xi32, #tpu.memory_space<vmem>>, vector<16xi32>,
        %swap3A_747 = vector.shape_cast %swap3A_746 : vector<16xi32> to vector<16xi32>
        %swap3A_748 = vector.shape_cast %min3A_744 : vector<16xi32> to vector<16xi32>
        tpu.vector_store %arg7[%swap3A_745], %swap3A_748 {strides = array<i32>} : memref<400xi32, #tpu.memory_space<vmem>>, vector<16xi32>,
        %get3A_749 = arith.constant 368 : index
        %get3A_750 = tpu.vector_load %arg7[%get3A_749] {strides = array<i32>} : memref<400xi32, #tpu.memory_space<vmem>>, vector<16xi32>,
        %get3A_751 = vector.shape_cast %get3A_750 : vector<16xi32> to vector<16xi32>
        %max3A_752 = arith.maxsi %get3A_751, %broadcast_in_dim3A_5 : vector<16xi32>
        %min3A_753 = arith.minsi %max3A_752, %broadcast_in_dim3A_3 : vector<16xi32>
        %swap3A_754 = arith.constant 368 : index
        %swap3A_755 = tpu.vector_load %arg7[%swap3A_754] {strides = array<i32>} : memref<400xi32, #tpu.memory_space<vmem>>, vector<16xi32>,
        %swap3A_756 = vector.shape_cast %swap3A_755 : vector<16xi32> to vector<16xi32>
        %swap3A_757 = vector.shape_cast %min3A_753 : vector<16xi32> to vector<16xi32>
        tpu.vector_store %arg7[%swap3A_754], %swap3A_757 {strides = array<i32>} : memref<400xi32, #tpu.memory_space<vmem>>, vector<16xi32>,
        %get3A_758 = arith.constant 384 : index
        %get3A_759 = tpu.vector_load %arg7[%get3A_758] {strides = array<i32>} : memref<400xi32, #tpu.memory_space<vmem>>, vector<16xi32>,
        %get3A_760 = vector.shape_cast %get3A_759 : vector<16xi32> to vector<16xi32>
        %max3A_761 = arith.maxsi %get3A_760, %broadcast_in_dim3A_5 : vector<16xi32>
        %min3A_762 = arith.minsi %max3A_761, %broadcast_in_dim3A_3 : vector<16xi32>
        %swap3A_763 = arith.constant 384 : index
        %swap3A_764 = tpu.vector_load %arg7[%swap3A_763] {strides = array<i32>} : memref<400xi32, #tpu.memory_space<vmem>>, vector<16xi32>,
        %swap3A_765 = vector.shape_cast %swap3A_764 : vector<16xi32> to vector<16xi32>
        %swap3A_766 = vector.shape_cast %min3A_762 : vector<16xi32> to vector<16xi32>
        tpu.vector_store %arg7[%swap3A_763], %swap3A_766 {strides = array<i32>} : memref<400xi32, #tpu.memory_space<vmem>>, vector<16xi32>,
        %dma_start3A_767 = arith.constant 0 : i32
        %dma_start3A_768 = arith.constant 0 : i32
        %dma_start3A_769 = arith.constant 0 : i32
        %dma_start3A_770 = tpu.memref_slice %arg10[%dma_start3A_767, %dma_start3A_768, %dma_start3A_769] : memref<2x200x64xf32, #tpu.memory_space<vmem>> -> memref<1x200x64xf32, #tpu.memory_space<vmem>>
        %dma_start3A_771 = tpu.memref_squeeze %dma_start3A_770 : memref<1x200x64xf32, #tpu.memory_space<vmem>> -> memref<200x64xf32, #tpu.memory_space<vmem>>
        %dma_start3A_772 = arith.constant 0 : i32
        %dma_start3A_773 = arith.constant 0 : i32
        %dma_start3A_774 = tpu.memref_slice %dma_start3A_771[%dma_start3A_772, %dma_start3A_773] : memref<200x64xf32, #tpu.memory_space<vmem>> -> memref<104x64xf32, #tpu.memory_space<vmem>>
        %dma_start3A_775 = arith.constant 0 : i32
        %dma_start3A_776 = tpu.memref_slice %arg7[%dma_start3A_775] : memref<400xi32, #tpu.memory_space<vmem>> -> memref<104xi32, #tpu.memory_space<vmem>>
        %dma_start3A_777 = arith.constant 0 : i32
        %dma_start3A_778 = arith.constant 0 : i32
        %dma_start3A_779 = tpu.memref_slice %arg3[%dma_start3A_777, %dma_start3A_778] : memref<100000x64xf32, #tpu.memory_space<hbm>> -> memref<100000x64xf32, #tpu.memory_space<hbm>>
        tpu.enqueue_indirect_dma source(%dma_start3A_779 : memref<100000x64xf32, #tpu.memory_space<hbm>>) target(%dma_start3A_774 : memref<104x64xf32, #tpu.memory_space<vmem>>) offsets(%dma_start3A_776 : memref<104xi32, #tpu.memory_space<vmem>>) semaphore(%arg12 : memref<!tpu.dma_semaphore, #tpu.memory_space<semaphore_mem>>)
        %dma_start3A_780 = arith.constant 0 : i32
        %dma_start3A_781 = arith.constant 0 : i32
        %dma_start3A_782 = arith.constant 0 : i32
        %dma_start3A_783 = tpu.memref_slice %arg10[%dma_start3A_780, %dma_start3A_781, %dma_start3A_782] : memref<2x200x64xf32, #tpu.memory_space<vmem>> -> memref<1x200x64xf32, #tpu.memory_space<vmem>>
        %dma_start3A_784 = tpu.memref_squeeze %dma_start3A_783 : memref<1x200x64xf32, #tpu.memory_space<vmem>> -> memref<200x64xf32, #tpu.memory_space<vmem>>
        %dma_start3A_785 = arith.constant 104 : i32
        %dma_start3A_786 = arith.constant 0 : i32
        %dma_start3A_787 = tpu.memref_slice %dma_start3A_784[%dma_start3A_785, %dma_start3A_786] : memref<200x64xf32, #tpu.memory_space<vmem>> -> memref<96x64xf32, #tpu.memory_space<vmem>>
        %dma_start3A_788 = arith.constant 104 : i32
        %dma_start3A_789 = tpu.memref_slice %arg7[%dma_start3A_788] : memref<400xi32, #tpu.memory_space<vmem>> -> memref<96xi32, #tpu.memory_space<vmem>>
        %dma_start3A_790 = arith.constant 0 : i32
        %dma_start3A_791 = arith.constant 0 : i32
        %dma_start3A_792 = tpu.memref_slice %arg3[%dma_start3A_790, %dma_start3A_791] : memref<100000x64xf32, #tpu.memory_space<hbm>> -> memref<100000x64xf32, #tpu.memory_space<hbm>>
        tpu.enqueue_indirect_dma source(%dma_start3A_792 : memref<100000x64xf32, #tpu.memory_space<hbm>>) target(%dma_start3A_787 : memref<96x64xf32, #tpu.memory_space<vmem>>) offsets(%dma_start3A_789 : memref<96xi32, #tpu.memory_space<vmem>>) semaphore(%arg12 : memref<!tpu.dma_semaphore, #tpu.memory_space<semaphore_mem>>)
        %dma_start3A_793 = arith.constant 1 : i32
        %dma_start3A_794 = arith.constant 0 : i32
        %dma_start3A_795 = arith.constant 0 : i32
        %dma_start3A_796 = tpu.memref_slice %arg10[%dma_start3A_793, %dma_start3A_794, %dma_start3A_795] : memref<2x200x64xf32, #tpu.memory_space<vmem>> -> memref<1x200x64xf32, #tpu.memory_space<vmem>>
        %dma_start3A_797 = tpu.memref_squeeze %dma_start3A_796 : memref<1x200x64xf32, #tpu.memory_space<vmem>> -> memref<200x64xf32, #tpu.memory_space<vmem>>
        %dma_start3A_798 = arith.constant 0 : i32
        %dma_start3A_799 = arith.constant 0 : i32
        %dma_start3A_800 = tpu.memref_slice %dma_start3A_797[%dma_start3A_798, %dma_start3A_799] : memref<200x64xf32, #tpu.memory_space<vmem>> -> memref<104x64xf32, #tpu.memory_space<vmem>>
        %dma_start3A_801 = arith.constant 200 : i32
        %dma_start3A_802 = tpu.memref_slice %arg7[%dma_start3A_801] : memref<400xi32, #tpu.memory_space<vmem>> -> memref<104xi32, #tpu.memory_space<vmem>>
        %dma_start3A_803 = arith.constant 0 : i32
        %dma_start3A_804 = arith.constant 0 : i32
        %dma_start3A_805 = tpu.memref_slice %arg3[%dma_start3A_803, %dma_start3A_804] : memref<100000x64xf32, #tpu.memory_space<hbm>> -> memref<100000x64xf32, #tpu.memory_space<hbm>>
        tpu.enqueue_indirect_dma source(%dma_start3A_805 : memref<100000x64xf32, #tpu.memory_space<hbm>>) target(%dma_start3A_800 : memref<104x64xf32, #tpu.memory_space<vmem>>) offsets(%dma_start3A_802 : memref<104xi32, #tpu.memory_space<vmem>>) semaphore(%arg12 : memref<!tpu.dma_semaphore, #tpu.memory_space<semaphore_mem>>)
        %dma_start3A_806 = arith.constant 1 : i32
        %dma_start3A_807 = arith.constant 0 : i32
        %dma_start3A_808 = arith.constant 0 : i32
        %dma_start3A_809 = tpu.memref_slice %arg10[%dma_start3A_806, %dma_start3A_807, %dma_start3A_808] : memref<2x200x64xf32, #tpu.memory_space<vmem>> -> memref<1x200x64xf32, #tpu.memory_space<vmem>>
        %dma_start3A_810 = tpu.memref_squeeze %dma_start3A_809 : memref<1x200x64xf32, #tpu.memory_space<vmem>> -> memref<200x64xf32, #tpu.memory_space<vmem>>
        %dma_start3A_811 = arith.constant 104 : i32
        %dma_start3A_812 = arith.constant 0 : i32
        %dma_start3A_813 = tpu.memref_slice %dma_start3A_810[%dma_start3A_811, %dma_start3A_812] : memref<200x64xf32, #tpu.memory_space<vmem>> -> memref<96x64xf32, #tpu.memory_space<vmem>>
        %dma_start3A_814 = arith.constant 304 : i32
        %dma_start3A_815 = tpu.memref_slice %arg7[%dma_start3A_814] : memref<400xi32, #tpu.memory_space<vmem>> -> memref<96xi32, #tpu.memory_space<vmem>>
        %dma_start3A_816 = arith.constant 0 : i32
        %dma_start3A_817 = arith.constant 0 : i32
        %dma_start3A_818 = tpu.memref_slice %arg3[%dma_start3A_816, %dma_start3A_817] : memref<100000x64xf32, #tpu.memory_space<hbm>> -> memref<100000x64xf32, #tpu.memory_space<hbm>>
        tpu.enqueue_indirect_dma source(%dma_start3A_818 : memref<100000x64xf32, #tpu.memory_space<hbm>>) target(%dma_start3A_813 : memref<96x64xf32, #tpu.memory_space<vmem>>) offsets(%dma_start3A_815 : memref<96xi32, #tpu.memory_space<vmem>>) semaphore(%arg12 : memref<!tpu.dma_semaphore, #tpu.memory_space<semaphore_mem>>)
      } else {
      }
      %mul3A_439 = arith.constant 2 : i32
      %mul3A_440 = arith.muli %add3A_428, %mul3A_439 : i32
      %add3A_441 = arith.addi %mul3A_2, %mul3A_440 : i32
      %dma_wait3A_442 = arith.constant 0 : i32
      %dma_wait3A_443 = arith.constant 0 : i32
      %dma_wait3A_444 = tpu.memref_slice %arg4[%add3A_441, %dma_wait3A_442, %dma_wait3A_443] : memref<4096x200x128xf32, #tpu.memory_space<hbm>> -> memref<2x200x128xf32, #tpu.memory_space<hbm>>
      %dma_wait3A_445 = arith.constant 0 : i32
      %dma_wait3A_446 = arith.constant 0 : i32
      %dma_wait3A_447 = arith.constant 0 : i32
      %dma_wait3A_448 = tpu.memref_slice %dma_wait3A_444[%dma_wait3A_445, %dma_wait3A_446, %dma_wait3A_447] : memref<2x200x128xf32, #tpu.memory_space<hbm>> -> memref<2x200x64xf32, #tpu.memory_space<hbm>>
      %dma_wait3A_449 = arith.constant 0 : i32
      %dma_wait3A_450 = arith.constant 0 : i32
      %dma_wait3A_451 = tpu.memref_slice %arg4[%add3A_441, %dma_wait3A_449, %dma_wait3A_450] : memref<4096x200x128xf32, #tpu.memory_space<hbm>> -> memref<2x200x128xf32, #tpu.memory_space<hbm>>
      %dma_wait3A_452 = arith.constant 0 : i32
      %dma_wait3A_453 = arith.constant 0 : i32
      %dma_wait3A_454 = arith.constant 0 : i32
      %dma_wait3A_455 = tpu.memref_slice %dma_wait3A_451[%dma_wait3A_452, %dma_wait3A_453, %dma_wait3A_454] : memref<2x200x128xf32, #tpu.memory_space<hbm>> -> memref<2x200x64xf32, #tpu.memory_space<hbm>>
      tpu.wait_dma2 semaphore(%arg12 : memref<!tpu.dma_semaphore, #tpu.memory_space<semaphore_mem>>) src(%dma_wait3A_455 : memref<2x200x64xf32, #tpu.memory_space<hbm>>) dst(%arg9 : memref<2x200x64xf32, #tpu.memory_space<vmem>>)
      %lt3A_456 = arith.constant 62 : i32
      %lt3A_457 = arith.cmpi slt, %add3A_428, %lt3A_456 : i32
      %convert_element_type3A_458 = arith.extui %lt3A_457 : i1 to i32
      %cond3A_459 = arith.constant 0 : i32
      %cond3A_460 = arith.cmpi ne, %convert_element_type3A_458, %cond3A_459 : i32
      scf.if %cond3A_460 {
        %add3A_531 = arith.constant 2 : i32
        %add3A_532 = arith.addi %add3A_428, %add3A_531 : i32
        %mul3A_533 = arith.constant 2 : i32
        %mul3A_534 = arith.muli %add3A_532, %mul3A_533 : i32
        %add3A_535 = arith.addi %mul3A_2, %mul3A_534 : i32
        %mul3A_536 = arith.constant 200 : i32
        %mul3A_537 = arith.muli %add3A_535, %mul3A_536 : i32
        %dma_start3A_538 = tpu.memref_slice %arg2[%mul3A_537] : memref<819200xi32, #tpu.memory_space<hbm>> -> memref<400xi32, #tpu.memory_space<hbm>>
        %dma_start3A_539 = tpu.memref_slice %arg2[%mul3A_537] : memref<819200xi32, #tpu.memory_space<hbm>> -> memref<400xi32, #tpu.memory_space<hbm>>
        tpu.enqueue_dma source(%dma_start3A_539 : memref<400xi32, #tpu.memory_space<hbm>>) target(%arg5 : memref<400xi32, #tpu.memory_space<vmem>>) target_semaphore(%arg11 : memref<!tpu.dma_semaphore, #tpu.memory_space<semaphore_mem>>)
      } else {
      }
      %mul3A_461 = arith.constant 2 : i32
      %mul3A_462 = arith.muli %add3A_428, %mul3A_461 : i32
      %add3A_463 = arith.addi %mul3A_2, %mul3A_462 : i32
      %dma_start3A_464 = arith.constant 0 : i32
      %dma_start3A_465 = arith.constant 0 : i32
      %dma_start3A_466 = tpu.memref_slice %arg4[%add3A_463, %dma_start3A_464, %dma_start3A_465] : memref<4096x200x128xf32, #tpu.memory_space<hbm>> -> memref<2x200x128xf32, #tpu.memory_space<hbm>>
      %dma_start3A_467 = arith.constant 0 : i32
      %dma_start3A_468 = arith.constant 0 : i32
      %dma_start3A_469 = arith.constant 0 : i32
      %dma_start3A_470 = tpu.memref_slice %dma_start3A_466[%dma_start3A_467, %dma_start3A_468, %dma_start3A_469] : memref<2x200x128xf32, #tpu.memory_space<hbm>> -> memref<2x200x64xf32, #tpu.memory_space<hbm>>
      %dma_start3A_471 = arith.constant 0 : i32
      %dma_start3A_472 = arith.constant 0 : i32
      %dma_start3A_473 = tpu.memref_slice %arg4[%add3A_463, %dma_start3A_471, %dma_start3A_472] : memref<4096x200x128xf32, #tpu.memory_space<hbm>> -> memref<2x200x128xf32, #tpu.memory_space<hbm>>
      %dma_start3A_474 = arith.constant 0 : i32
      %dma_start3A_475 = arith.constant 0 : i32
      %dma_start3A_476 = arith.constant 0 : i32
      %dma_start3A_477 = tpu.memref_slice %dma_start3A_473[%dma_start3A_474, %dma_start3A_475, %dma_start3A_476] : memref<2x200x128xf32, #tpu.memory_space<hbm>> -> memref<2x200x64xf32, #tpu.memory_space<hbm>>
      tpu.enqueue_dma source(%arg9 : memref<2x200x64xf32, #tpu.memory_space<vmem>>) target(%dma_start3A_477 : memref<2x200x64xf32, #tpu.memory_space<hbm>>) target_semaphore(%arg13 : memref<!tpu.dma_semaphore, #tpu.memory_space<semaphore_mem>>)
      %mul3A_478 = arith.constant 3 : i32
      %mul3A_479 = arith.muli %mul3A_478, %scan3A_375 : i32
      %add3A_480 = arith.constant 2 : i32
      %add3A_481 = arith.addi %mul3A_479, %add3A_480 : i32
      %ge3A_482 = arith.constant 2 : i32
      %ge3A_483 = arith.cmpi sge, %add3A_481, %ge3A_482 : i32
      %convert_element_type3A_484 = arith.extui %ge3A_483 : i1 to i32
      %cond3A_485 = arith.constant 0 : i32
      %cond3A_486 = arith.cmpi ne, %convert_element_type3A_484, %cond3A_485 : i32
      scf.if %cond3A_486 {
        %sub3A = arith.constant 2 : i32
        %sub3A_531 = arith.subi %add3A_481, %sub3A : i32
        %mul3A_532 = arith.constant 2 : i32
        %mul3A_533 = arith.muli %sub3A_531, %mul3A_532 : i32
        %add3A_534 = arith.addi %mul3A_2, %mul3A_533 : i32
        %dma_wait3A_535 = arith.constant 0 : i32
        %dma_wait3A_536 = arith.constant 0 : i32
        %dma_wait3A_537 = tpu.memref_slice %arg4[%add3A_534, %dma_wait3A_535, %dma_wait3A_536] : memref<4096x200x128xf32, #tpu.memory_space<hbm>> -> memref<2x200x128xf32, #tpu.memory_space<hbm>>
        %dma_wait3A_538 = arith.constant 0 : i32
        %dma_wait3A_539 = arith.constant 0 : i32
        %dma_wait3A_540 = arith.constant 0 : i32
        %dma_wait3A_541 = tpu.memref_slice %dma_wait3A_537[%dma_wait3A_538, %dma_wait3A_539, %dma_wait3A_540] : memref<2x200x128xf32, #tpu.memory_space<hbm>> -> memref<2x200x64xf32, #tpu.memory_space<hbm>>
        %dma_wait3A_542 = arith.constant 0 : i32
        %dma_wait3A_543 = arith.constant 0 : i32
        %dma_wait3A_544 = tpu.memref_slice %arg4[%add3A_534, %dma_wait3A_542, %dma_wait3A_543] : memref<4096x200x128xf32, #tpu.memory_space<hbm>> -> memref<2x200x128xf32, #tpu.memory_space<hbm>>
        %dma_wait3A_545 = arith.constant 0 : i32
        %dma_wait3A_546 = arith.constant 0 : i32
        %dma_wait3A_547 = arith.constant 0 : i32
        %dma_wait3A_548 = tpu.memref_slice %dma_wait3A_544[%dma_wait3A_545, %dma_wait3A_546, %dma_wait3A_547] : memref<2x200x128xf32, #tpu.memory_space<hbm>> -> memref<2x200x64xf32, #tpu.memory_space<hbm>>
        tpu.wait_dma2 semaphore(%arg13 : memref<!tpu.dma_semaphore, #tpu.memory_space<semaphore_mem>>) src(%arg8 : memref<2x200x64xf32, #tpu.memory_space<vmem>>) dst(%dma_wait3A_548 : memref<2x200x64xf32, #tpu.memory_space<hbm>>)
      } else {
      }
      %lt3A_487 = arith.constant 63 : i32
      %lt3A_488 = arith.cmpi slt, %add3A_481, %lt3A_487 : i32
      %convert_element_type3A_489 = arith.extui %lt3A_488 : i1 to i32
      %cond3A_490 = arith.constant 0 : i32
      %cond3A_491 = arith.cmpi ne, %convert_element_type3A_489, %cond3A_490 : i32
      scf.if %cond3A_491 {
        %add3A_531 = arith.constant 1 : i32
        %add3A_532 = arith.addi %add3A_481, %add3A_531 : i32
        %mul3A_533 = arith.constant 2 : i32
        %mul3A_534 = arith.muli %add3A_532, %mul3A_533 : i32
        %add3A_535 = arith.addi %mul3A_2, %mul3A_534 : i32
        %mul3A_536 = arith.constant 200 : i32
        %mul3A_537 = arith.muli %add3A_535, %mul3A_536 : i32
        %dma_wait3A_538 = tpu.memref_slice %arg2[%mul3A_537] : memref<819200xi32, #tpu.memory_space<hbm>> -> memref<400xi32, #tpu.memory_space<hbm>>
        %dma_wait3A_539 = tpu.memref_slice %arg2[%mul3A_537] : memref<819200xi32, #tpu.memory_space<hbm>> -> memref<400xi32, #tpu.memory_space<hbm>>
        tpu.wait_dma2 semaphore(%arg11 : memref<!tpu.dma_semaphore, #tpu.memory_space<semaphore_mem>>) src(%dma_wait3A_539 : memref<400xi32, #tpu.memory_space<hbm>>) dst(%arg5 : memref<400xi32, #tpu.memory_space<vmem>>)
        %add3A_540 = arith.constant 1 : i32
        %add3A_541 = arith.addi %add3A_481, %add3A_540 : i32
        %get3A_542 = arith.constant 0 : index
        %get3A_543 = tpu.vector_load %arg5[%get3A_542] {strides = array<i32>} : memref<400xi32, #tpu.memory_space<vmem>>, vector<16xi32>,
        %get3A_544 = vector.shape_cast %get3A_543 : vector<16xi32> to vector<16xi32>
        %max3A_545 = arith.maxsi %get3A_544, %broadcast_in_dim3A_5 : vector<16xi32>
        %min3A_546 = arith.minsi %max3A_545, %broadcast_in_dim3A_3 : vector<16xi32>
        %swap3A_547 = arith.constant 0 : index
        %swap3A_548 = tpu.vector_load %arg5[%swap3A_547] {strides = array<i32>} : memref<400xi32, #tpu.memory_space<vmem>>, vector<16xi32>,
        %swap3A_549 = vector.shape_cast %swap3A_548 : vector<16xi32> to vector<16xi32>
        %swap3A_550 = vector.shape_cast %min3A_546 : vector<16xi32> to vector<16xi32>
        tpu.vector_store %arg5[%swap3A_547], %swap3A_550 {strides = array<i32>} : memref<400xi32, #tpu.memory_space<vmem>>, vector<16xi32>,
        %get3A_551 = arith.constant 16 : index
        %get3A_552 = tpu.vector_load %arg5[%get3A_551] {strides = array<i32>} : memref<400xi32, #tpu.memory_space<vmem>>, vector<16xi32>,
        %get3A_553 = vector.shape_cast %get3A_552 : vector<16xi32> to vector<16xi32>
        %max3A_554 = arith.maxsi %get3A_553, %broadcast_in_dim3A_5 : vector<16xi32>
        %min3A_555 = arith.minsi %max3A_554, %broadcast_in_dim3A_3 : vector<16xi32>
        %swap3A_556 = arith.constant 16 : index
        %swap3A_557 = tpu.vector_load %arg5[%swap3A_556] {strides = array<i32>} : memref<400xi32, #tpu.memory_space<vmem>>, vector<16xi32>,
        %swap3A_558 = vector.shape_cast %swap3A_557 : vector<16xi32> to vector<16xi32>
        %swap3A_559 = vector.shape_cast %min3A_555 : vector<16xi32> to vector<16xi32>
        tpu.vector_store %arg5[%swap3A_556], %swap3A_559 {strides = array<i32>} : memref<400xi32, #tpu.memory_space<vmem>>, vector<16xi32>,
        %get3A_560 = arith.constant 32 : index
        %get3A_561 = tpu.vector_load %arg5[%get3A_560] {strides = array<i32>} : memref<400xi32, #tpu.memory_space<vmem>>, vector<16xi32>,
        %get3A_562 = vector.shape_cast %get3A_561 : vector<16xi32> to vector<16xi32>
        %max3A_563 = arith.maxsi %get3A_562, %broadcast_in_dim3A_5 : vector<16xi32>
        %min3A_564 = arith.minsi %max3A_563, %broadcast_in_dim3A_3 : vector<16xi32>
        %swap3A_565 = arith.constant 32 : index
        %swap3A_566 = tpu.vector_load %arg5[%swap3A_565] {strides = array<i32>} : memref<400xi32, #tpu.memory_space<vmem>>, vector<16xi32>,
        %swap3A_567 = vector.shape_cast %swap3A_566 : vector<16xi32> to vector<16xi32>
        %swap3A_568 = vector.shape_cast %min3A_564 : vector<16xi32> to vector<16xi32>
        tpu.vector_store %arg5[%swap3A_565], %swap3A_568 {strides = array<i32>} : memref<400xi32, #tpu.memory_space<vmem>>, vector<16xi32>,
        %get3A_569 = arith.constant 48 : index
        %get3A_570 = tpu.vector_load %arg5[%get3A_569] {strides = array<i32>} : memref<400xi32, #tpu.memory_space<vmem>>, vector<16xi32>,
        %get3A_571 = vector.shape_cast %get3A_570 : vector<16xi32> to vector<16xi32>
        %max3A_572 = arith.maxsi %get3A_571, %broadcast_in_dim3A_5 : vector<16xi32>
        %min3A_573 = arith.minsi %max3A_572, %broadcast_in_dim3A_3 : vector<16xi32>
        %swap3A_574 = arith.constant 48 : index
        %swap3A_575 = tpu.vector_load %arg5[%swap3A_574] {strides = array<i32>} : memref<400xi32, #tpu.memory_space<vmem>>, vector<16xi32>,
        %swap3A_576 = vector.shape_cast %swap3A_575 : vector<16xi32> to vector<16xi32>
        %swap3A_577 = vector.shape_cast %min3A_573 : vector<16xi32> to vector<16xi32>
        tpu.vector_store %arg5[%swap3A_574], %swap3A_577 {strides = array<i32>} : memref<400xi32, #tpu.memory_space<vmem>>, vector<16xi32>,
        %get3A_578 = arith.constant 64 : index
        %get3A_579 = tpu.vector_load %arg5[%get3A_578] {strides = array<i32>} : memref<400xi32, #tpu.memory_space<vmem>>, vector<16xi32>,
        %get3A_580 = vector.shape_cast %get3A_579 : vector<16xi32> to vector<16xi32>
        %max3A_581 = arith.maxsi %get3A_580, %broadcast_in_dim3A_5 : vector<16xi32>
        %min3A_582 = arith.minsi %max3A_581, %broadcast_in_dim3A_3 : vector<16xi32>
        %swap3A_583 = arith.constant 64 : index
        %swap3A_584 = tpu.vector_load %arg5[%swap3A_583] {strides = array<i32>} : memref<400xi32, #tpu.memory_space<vmem>>, vector<16xi32>,
        %swap3A_585 = vector.shape_cast %swap3A_584 : vector<16xi32> to vector<16xi32>
        %swap3A_586 = vector.shape_cast %min3A_582 : vector<16xi32> to vector<16xi32>
        tpu.vector_store %arg5[%swap3A_583], %swap3A_586 {strides = array<i32>} : memref<400xi32, #tpu.memory_space<vmem>>, vector<16xi32>,
        %get3A_587 = arith.constant 80 : index
        %get3A_588 = tpu.vector_load %arg5[%get3A_587] {strides = array<i32>} : memref<400xi32, #tpu.memory_space<vmem>>, vector<16xi32>,
        %get3A_589 = vector.shape_cast %get3A_588 : vector<16xi32> to vector<16xi32>
        %max3A_590 = arith.maxsi %get3A_589, %broadcast_in_dim3A_5 : vector<16xi32>
        %min3A_591 = arith.minsi %max3A_590, %broadcast_in_dim3A_3 : vector<16xi32>
        %swap3A_592 = arith.constant 80 : index
        %swap3A_593 = tpu.vector_load %arg5[%swap3A_592] {strides = array<i32>} : memref<400xi32, #tpu.memory_space<vmem>>, vector<16xi32>,
        %swap3A_594 = vector.shape_cast %swap3A_593 : vector<16xi32> to vector<16xi32>
        %swap3A_595 = vector.shape_cast %min3A_591 : vector<16xi32> to vector<16xi32>
        tpu.vector_store %arg5[%swap3A_592], %swap3A_595 {strides = array<i32>} : memref<400xi32, #tpu.memory_space<vmem>>, vector<16xi32>,
        %get3A_596 = arith.constant 96 : index
        %get3A_597 = tpu.vector_load %arg5[%get3A_596] {strides = array<i32>} : memref<400xi32, #tpu.memory_space<vmem>>, vector<16xi32>,
        %get3A_598 = vector.shape_cast %get3A_597 : vector<16xi32> to vector<16xi32>
        %max3A_599 = arith.maxsi %get3A_598, %broadcast_in_dim3A_5 : vector<16xi32>
        %min3A_600 = arith.minsi %max3A_599, %broadcast_in_dim3A_3 : vector<16xi32>
        %swap3A_601 = arith.constant 96 : index
        %swap3A_602 = tpu.vector_load %arg5[%swap3A_601] {strides = array<i32>} : memref<400xi32, #tpu.memory_space<vmem>>, vector<16xi32>,
        %swap3A_603 = vector.shape_cast %swap3A_602 : vector<16xi32> to vector<16xi32>
        %swap3A_604 = vector.shape_cast %min3A_600 : vector<16xi32> to vector<16xi32>
        tpu.vector_store %arg5[%swap3A_601], %swap3A_604 {strides = array<i32>} : memref<400xi32, #tpu.memory_space<vmem>>, vector<16xi32>,
        %get3A_605 = arith.constant 112 : index
        %get3A_606 = tpu.vector_load %arg5[%get3A_605] {strides = array<i32>} : memref<400xi32, #tpu.memory_space<vmem>>, vector<16xi32>,
        %get3A_607 = vector.shape_cast %get3A_606 : vector<16xi32> to vector<16xi32>
        %max3A_608 = arith.maxsi %get3A_607, %broadcast_in_dim3A_5 : vector<16xi32>
        %min3A_609 = arith.minsi %max3A_608, %broadcast_in_dim3A_3 : vector<16xi32>
        %swap3A_610 = arith.constant 112 : index
        %swap3A_611 = tpu.vector_load %arg5[%swap3A_610] {strides = array<i32>} : memref<400xi32, #tpu.memory_space<vmem>>, vector<16xi32>,
        %swap3A_612 = vector.shape_cast %swap3A_611 : vector<16xi32> to vector<16xi32>
        %swap3A_613 = vector.shape_cast %min3A_609 : vector<16xi32> to vector<16xi32>
        tpu.vector_store %arg5[%swap3A_610], %swap3A_613 {strides = array<i32>} : memref<400xi32, #tpu.memory_space<vmem>>, vector<16xi32>,
        %get3A_614 = arith.constant 128 : index
        %get3A_615 = tpu.vector_load %arg5[%get3A_614] {strides = array<i32>} : memref<400xi32, #tpu.memory_space<vmem>>, vector<16xi32>,
        %get3A_616 = vector.shape_cast %get3A_615 : vector<16xi32> to vector<16xi32>
        %max3A_617 = arith.maxsi %get3A_616, %broadcast_in_dim3A_5 : vector<16xi32>
        %min3A_618 = arith.minsi %max3A_617, %broadcast_in_dim3A_3 : vector<16xi32>
        %swap3A_619 = arith.constant 128 : index
        %swap3A_620 = tpu.vector_load %arg5[%swap3A_619] {strides = array<i32>} : memref<400xi32, #tpu.memory_space<vmem>>, vector<16xi32>,
        %swap3A_621 = vector.shape_cast %swap3A_620 : vector<16xi32> to vector<16xi32>
        %swap3A_622 = vector.shape_cast %min3A_618 : vector<16xi32> to vector<16xi32>
        tpu.vector_store %arg5[%swap3A_619], %swap3A_622 {strides = array<i32>} : memref<400xi32, #tpu.memory_space<vmem>>, vector<16xi32>,
        %get3A_623 = arith.constant 144 : index
        %get3A_624 = tpu.vector_load %arg5[%get3A_623] {strides = array<i32>} : memref<400xi32, #tpu.memory_space<vmem>>, vector<16xi32>,
        %get3A_625 = vector.shape_cast %get3A_624 : vector<16xi32> to vector<16xi32>
        %max3A_626 = arith.maxsi %get3A_625, %broadcast_in_dim3A_5 : vector<16xi32>
        %min3A_627 = arith.minsi %max3A_626, %broadcast_in_dim3A_3 : vector<16xi32>
        %swap3A_628 = arith.constant 144 : index
        %swap3A_629 = tpu.vector_load %arg5[%swap3A_628] {strides = array<i32>} : memref<400xi32, #tpu.memory_space<vmem>>, vector<16xi32>,
        %swap3A_630 = vector.shape_cast %swap3A_629 : vector<16xi32> to vector<16xi32>
        %swap3A_631 = vector.shape_cast %min3A_627 : vector<16xi32> to vector<16xi32>
        tpu.vector_store %arg5[%swap3A_628], %swap3A_631 {strides = array<i32>} : memref<400xi32, #tpu.memory_space<vmem>>, vector<16xi32>,
        %get3A_632 = arith.constant 160 : index
        %get3A_633 = tpu.vector_load %arg5[%get3A_632] {strides = array<i32>} : memref<400xi32, #tpu.memory_space<vmem>>, vector<16xi32>,
        %get3A_634 = vector.shape_cast %get3A_633 : vector<16xi32> to vector<16xi32>
        %max3A_635 = arith.maxsi %get3A_634, %broadcast_in_dim3A_5 : vector<16xi32>
        %min3A_636 = arith.minsi %max3A_635, %broadcast_in_dim3A_3 : vector<16xi32>
        %swap3A_637 = arith.constant 160 : index
        %swap3A_638 = tpu.vector_load %arg5[%swap3A_637] {strides = array<i32>} : memref<400xi32, #tpu.memory_space<vmem>>, vector<16xi32>,
        %swap3A_639 = vector.shape_cast %swap3A_638 : vector<16xi32> to vector<16xi32>
        %swap3A_640 = vector.shape_cast %min3A_636 : vector<16xi32> to vector<16xi32>
        tpu.vector_store %arg5[%swap3A_637], %swap3A_640 {strides = array<i32>} : memref<400xi32, #tpu.memory_space<vmem>>, vector<16xi32>,
        %get3A_641 = arith.constant 176 : index
        %get3A_642 = tpu.vector_load %arg5[%get3A_641] {strides = array<i32>} : memref<400xi32, #tpu.memory_space<vmem>>, vector<16xi32>,
        %get3A_643 = vector.shape_cast %get3A_642 : vector<16xi32> to vector<16xi32>
        %max3A_644 = arith.maxsi %get3A_643, %broadcast_in_dim3A_5 : vector<16xi32>
        %min3A_645 = arith.minsi %max3A_644, %broadcast_in_dim3A_3 : vector<16xi32>
        %swap3A_646 = arith.constant 176 : index
        %swap3A_647 = tpu.vector_load %arg5[%swap3A_646] {strides = array<i32>} : memref<400xi32, #tpu.memory_space<vmem>>, vector<16xi32>,
        %swap3A_648 = vector.shape_cast %swap3A_647 : vector<16xi32> to vector<16xi32>
        %swap3A_649 = vector.shape_cast %min3A_645 : vector<16xi32> to vector<16xi32>
        tpu.vector_store %arg5[%swap3A_646], %swap3A_649 {strides = array<i32>} : memref<400xi32, #tpu.memory_space<vmem>>, vector<16xi32>,
        %get3A_650 = arith.constant 192 : index
        %get3A_651 = tpu.vector_load %arg5[%get3A_650] {strides = array<i32>} : memref<400xi32, #tpu.memory_space<vmem>>, vector<16xi32>,
        %get3A_652 = vector.shape_cast %get3A_651 : vector<16xi32> to vector<16xi32>
        %max3A_653 = arith.maxsi %get3A_652, %broadcast_in_dim3A_5 : vector<16xi32>
        %min3A_654 = arith.minsi %max3A_653, %broadcast_in_dim3A_3 : vector<16xi32>
        %swap3A_655 = arith.constant 192 : index
        %swap3A_656 = tpu.vector_load %arg5[%swap3A_655] {strides = array<i32>} : memref<400xi32, #tpu.memory_space<vmem>>, vector<16xi32>,
        %swap3A_657 = vector.shape_cast %swap3A_656 : vector<16xi32> to vector<16xi32>
        %swap3A_658 = vector.shape_cast %min3A_654 : vector<16xi32> to vector<16xi32>
        tpu.vector_store %arg5[%swap3A_655], %swap3A_658 {strides = array<i32>} : memref<400xi32, #tpu.memory_space<vmem>>, vector<16xi32>,
        %get3A_659 = arith.constant 208 : index
        %get3A_660 = tpu.vector_load %arg5[%get3A_659] {strides = array<i32>} : memref<400xi32, #tpu.memory_space<vmem>>, vector<16xi32>,
        %get3A_661 = vector.shape_cast %get3A_660 : vector<16xi32> to vector<16xi32>
        %max3A_662 = arith.maxsi %get3A_661, %broadcast_in_dim3A_5 : vector<16xi32>
        %min3A_663 = arith.minsi %max3A_662, %broadcast_in_dim3A_3 : vector<16xi32>
        %swap3A_664 = arith.constant 208 : index
        %swap3A_665 = tpu.vector_load %arg5[%swap3A_664] {strides = array<i32>} : memref<400xi32, #tpu.memory_space<vmem>>, vector<16xi32>,
        %swap3A_666 = vector.shape_cast %swap3A_665 : vector<16xi32> to vector<16xi32>
        %swap3A_667 = vector.shape_cast %min3A_663 : vector<16xi32> to vector<16xi32>
        tpu.vector_store %arg5[%swap3A_664], %swap3A_667 {strides = array<i32>} : memref<400xi32, #tpu.memory_space<vmem>>, vector<16xi32>,
        %get3A_668 = arith.constant 224 : index
        %get3A_669 = tpu.vector_load %arg5[%get3A_668] {strides = array<i32>} : memref<400xi32, #tpu.memory_space<vmem>>, vector<16xi32>,
        %get3A_670 = vector.shape_cast %get3A_669 : vector<16xi32> to vector<16xi32>
        %max3A_671 = arith.maxsi %get3A_670, %broadcast_in_dim3A_5 : vector<16xi32>
        %min3A_672 = arith.minsi %max3A_671, %broadcast_in_dim3A_3 : vector<16xi32>
        %swap3A_673 = arith.constant 224 : index
        %swap3A_674 = tpu.vector_load %arg5[%swap3A_673] {strides = array<i32>} : memref<400xi32, #tpu.memory_space<vmem>>, vector<16xi32>,
        %swap3A_675 = vector.shape_cast %swap3A_674 : vector<16xi32> to vector<16xi32>
        %swap3A_676 = vector.shape_cast %min3A_672 : vector<16xi32> to vector<16xi32>
        tpu.vector_store %arg5[%swap3A_673], %swap3A_676 {strides = array<i32>} : memref<400xi32, #tpu.memory_space<vmem>>, vector<16xi32>,
        %get3A_677 = arith.constant 240 : index
        %get3A_678 = tpu.vector_load %arg5[%get3A_677] {strides = array<i32>} : memref<400xi32, #tpu.memory_space<vmem>>, vector<16xi32>,
        %get3A_679 = vector.shape_cast %get3A_678 : vector<16xi32> to vector<16xi32>
        %max3A_680 = arith.maxsi %get3A_679, %broadcast_in_dim3A_5 : vector<16xi32>
        %min3A_681 = arith.minsi %max3A_680, %broadcast_in_dim3A_3 : vector<16xi32>
        %swap3A_682 = arith.constant 240 : index
        %swap3A_683 = tpu.vector_load %arg5[%swap3A_682] {strides = array<i32>} : memref<400xi32, #tpu.memory_space<vmem>>, vector<16xi32>,
        %swap3A_684 = vector.shape_cast %swap3A_683 : vector<16xi32> to vector<16xi32>
        %swap3A_685 = vector.shape_cast %min3A_681 : vector<16xi32> to vector<16xi32>
        tpu.vector_store %arg5[%swap3A_682], %swap3A_685 {strides = array<i32>} : memref<400xi32, #tpu.memory_space<vmem>>, vector<16xi32>,
        %get3A_686 = arith.constant 256 : index
        %get3A_687 = tpu.vector_load %arg5[%get3A_686] {strides = array<i32>} : memref<400xi32, #tpu.memory_space<vmem>>, vector<16xi32>,
        %get3A_688 = vector.shape_cast %get3A_687 : vector<16xi32> to vector<16xi32>
        %max3A_689 = arith.maxsi %get3A_688, %broadcast_in_dim3A_5 : vector<16xi32>
        %min3A_690 = arith.minsi %max3A_689, %broadcast_in_dim3A_3 : vector<16xi32>
        %swap3A_691 = arith.constant 256 : index
        %swap3A_692 = tpu.vector_load %arg5[%swap3A_691] {strides = array<i32>} : memref<400xi32, #tpu.memory_space<vmem>>, vector<16xi32>,
        %swap3A_693 = vector.shape_cast %swap3A_692 : vector<16xi32> to vector<16xi32>
        %swap3A_694 = vector.shape_cast %min3A_690 : vector<16xi32> to vector<16xi32>
        tpu.vector_store %arg5[%swap3A_691], %swap3A_694 {strides = array<i32>} : memref<400xi32, #tpu.memory_space<vmem>>, vector<16xi32>,
        %get3A_695 = arith.constant 272 : index
        %get3A_696 = tpu.vector_load %arg5[%get3A_695] {strides = array<i32>} : memref<400xi32, #tpu.memory_space<vmem>>, vector<16xi32>,
        %get3A_697 = vector.shape_cast %get3A_696 : vector<16xi32> to vector<16xi32>
        %max3A_698 = arith.maxsi %get3A_697, %broadcast_in_dim3A_5 : vector<16xi32>
        %min3A_699 = arith.minsi %max3A_698, %broadcast_in_dim3A_3 : vector<16xi32>
        %swap3A_700 = arith.constant 272 : index
        %swap3A_701 = tpu.vector_load %arg5[%swap3A_700] {strides = array<i32>} : memref<400xi32, #tpu.memory_space<vmem>>, vector<16xi32>,
        %swap3A_702 = vector.shape_cast %swap3A_701 : vector<16xi32> to vector<16xi32>
        %swap3A_703 = vector.shape_cast %min3A_699 : vector<16xi32> to vector<16xi32>
        tpu.vector_store %arg5[%swap3A_700], %swap3A_703 {strides = array<i32>} : memref<400xi32, #tpu.memory_space<vmem>>, vector<16xi32>,
        %get3A_704 = arith.constant 288 : index
        %get3A_705 = tpu.vector_load %arg5[%get3A_704] {strides = array<i32>} : memref<400xi32, #tpu.memory_space<vmem>>, vector<16xi32>,
        %get3A_706 = vector.shape_cast %get3A_705 : vector<16xi32> to vector<16xi32>
        %max3A_707 = arith.maxsi %get3A_706, %broadcast_in_dim3A_5 : vector<16xi32>
        %min3A_708 = arith.minsi %max3A_707, %broadcast_in_dim3A_3 : vector<16xi32>
        %swap3A_709 = arith.constant 288 : index
        %swap3A_710 = tpu.vector_load %arg5[%swap3A_709] {strides = array<i32>} : memref<400xi32, #tpu.memory_space<vmem>>, vector<16xi32>,
        %swap3A_711 = vector.shape_cast %swap3A_710 : vector<16xi32> to vector<16xi32>
        %swap3A_712 = vector.shape_cast %min3A_708 : vector<16xi32> to vector<16xi32>
        tpu.vector_store %arg5[%swap3A_709], %swap3A_712 {strides = array<i32>} : memref<400xi32, #tpu.memory_space<vmem>>, vector<16xi32>,
        %get3A_713 = arith.constant 304 : index
        %get3A_714 = tpu.vector_load %arg5[%get3A_713] {strides = array<i32>} : memref<400xi32, #tpu.memory_space<vmem>>, vector<16xi32>,
        %get3A_715 = vector.shape_cast %get3A_714 : vector<16xi32> to vector<16xi32>
        %max3A_716 = arith.maxsi %get3A_715, %broadcast_in_dim3A_5 : vector<16xi32>
        %min3A_717 = arith.minsi %max3A_716, %broadcast_in_dim3A_3 : vector<16xi32>
        %swap3A_718 = arith.constant 304 : index
        %swap3A_719 = tpu.vector_load %arg5[%swap3A_718] {strides = array<i32>} : memref<400xi32, #tpu.memory_space<vmem>>, vector<16xi32>,
        %swap3A_720 = vector.shape_cast %swap3A_719 : vector<16xi32> to vector<16xi32>
        %swap3A_721 = vector.shape_cast %min3A_717 : vector<16xi32> to vector<16xi32>
        tpu.vector_store %arg5[%swap3A_718], %swap3A_721 {strides = array<i32>} : memref<400xi32, #tpu.memory_space<vmem>>, vector<16xi32>,
        %get3A_722 = arith.constant 320 : index
        %get3A_723 = tpu.vector_load %arg5[%get3A_722] {strides = array<i32>} : memref<400xi32, #tpu.memory_space<vmem>>, vector<16xi32>,
        %get3A_724 = vector.shape_cast %get3A_723 : vector<16xi32> to vector<16xi32>
        %max3A_725 = arith.maxsi %get3A_724, %broadcast_in_dim3A_5 : vector<16xi32>
        %min3A_726 = arith.minsi %max3A_725, %broadcast_in_dim3A_3 : vector<16xi32>
        %swap3A_727 = arith.constant 320 : index
        %swap3A_728 = tpu.vector_load %arg5[%swap3A_727] {strides = array<i32>} : memref<400xi32, #tpu.memory_space<vmem>>, vector<16xi32>,
        %swap3A_729 = vector.shape_cast %swap3A_728 : vector<16xi32> to vector<16xi32>
        %swap3A_730 = vector.shape_cast %min3A_726 : vector<16xi32> to vector<16xi32>
        tpu.vector_store %arg5[%swap3A_727], %swap3A_730 {strides = array<i32>} : memref<400xi32, #tpu.memory_space<vmem>>, vector<16xi32>,
        %get3A_731 = arith.constant 336 : index
        %get3A_732 = tpu.vector_load %arg5[%get3A_731] {strides = array<i32>} : memref<400xi32, #tpu.memory_space<vmem>>, vector<16xi32>,
        %get3A_733 = vector.shape_cast %get3A_732 : vector<16xi32> to vector<16xi32>
        %max3A_734 = arith.maxsi %get3A_733, %broadcast_in_dim3A_5 : vector<16xi32>
        %min3A_735 = arith.minsi %max3A_734, %broadcast_in_dim3A_3 : vector<16xi32>
        %swap3A_736 = arith.constant 336 : index
        %swap3A_737 = tpu.vector_load %arg5[%swap3A_736] {strides = array<i32>} : memref<400xi32, #tpu.memory_space<vmem>>, vector<16xi32>,
        %swap3A_738 = vector.shape_cast %swap3A_737 : vector<16xi32> to vector<16xi32>
        %swap3A_739 = vector.shape_cast %min3A_735 : vector<16xi32> to vector<16xi32>
        tpu.vector_store %arg5[%swap3A_736], %swap3A_739 {strides = array<i32>} : memref<400xi32, #tpu.memory_space<vmem>>, vector<16xi32>,
        %get3A_740 = arith.constant 352 : index
        %get3A_741 = tpu.vector_load %arg5[%get3A_740] {strides = array<i32>} : memref<400xi32, #tpu.memory_space<vmem>>, vector<16xi32>,
        %get3A_742 = vector.shape_cast %get3A_741 : vector<16xi32> to vector<16xi32>
        %max3A_743 = arith.maxsi %get3A_742, %broadcast_in_dim3A_5 : vector<16xi32>
        %min3A_744 = arith.minsi %max3A_743, %broadcast_in_dim3A_3 : vector<16xi32>
        %swap3A_745 = arith.constant 352 : index
        %swap3A_746 = tpu.vector_load %arg5[%swap3A_745] {strides = array<i32>} : memref<400xi32, #tpu.memory_space<vmem>>, vector<16xi32>,
        %swap3A_747 = vector.shape_cast %swap3A_746 : vector<16xi32> to vector<16xi32>
        %swap3A_748 = vector.shape_cast %min3A_744 : vector<16xi32> to vector<16xi32>
        tpu.vector_store %arg5[%swap3A_745], %swap3A_748 {strides = array<i32>} : memref<400xi32, #tpu.memory_space<vmem>>, vector<16xi32>,
        %get3A_749 = arith.constant 368 : index
        %get3A_750 = tpu.vector_load %arg5[%get3A_749] {strides = array<i32>} : memref<400xi32, #tpu.memory_space<vmem>>, vector<16xi32>,
        %get3A_751 = vector.shape_cast %get3A_750 : vector<16xi32> to vector<16xi32>
        %max3A_752 = arith.maxsi %get3A_751, %broadcast_in_dim3A_5 : vector<16xi32>
        %min3A_753 = arith.minsi %max3A_752, %broadcast_in_dim3A_3 : vector<16xi32>
        %swap3A_754 = arith.constant 368 : index
        %swap3A_755 = tpu.vector_load %arg5[%swap3A_754] {strides = array<i32>} : memref<400xi32, #tpu.memory_space<vmem>>, vector<16xi32>,
        %swap3A_756 = vector.shape_cast %swap3A_755 : vector<16xi32> to vector<16xi32>
        %swap3A_757 = vector.shape_cast %min3A_753 : vector<16xi32> to vector<16xi32>
        tpu.vector_store %arg5[%swap3A_754], %swap3A_757 {strides = array<i32>} : memref<400xi32, #tpu.memory_space<vmem>>, vector<16xi32>,
        %get3A_758 = arith.constant 384 : index
        %get3A_759 = tpu.vector_load %arg5[%get3A_758] {strides = array<i32>} : memref<400xi32, #tpu.memory_space<vmem>>, vector<16xi32>,
        %get3A_760 = vector.shape_cast %get3A_759 : vector<16xi32> to vector<16xi32>
        %max3A_761 = arith.maxsi %get3A_760, %broadcast_in_dim3A_5 : vector<16xi32>
        %min3A_762 = arith.minsi %max3A_761, %broadcast_in_dim3A_3 : vector<16xi32>
        %swap3A_763 = arith.constant 384 : index
        %swap3A_764 = tpu.vector_load %arg5[%swap3A_763] {strides = array<i32>} : memref<400xi32, #tpu.memory_space<vmem>>, vector<16xi32>,
        %swap3A_765 = vector.shape_cast %swap3A_764 : vector<16xi32> to vector<16xi32>
        %swap3A_766 = vector.shape_cast %min3A_762 : vector<16xi32> to vector<16xi32>
        tpu.vector_store %arg5[%swap3A_763], %swap3A_766 {strides = array<i32>} : memref<400xi32, #tpu.memory_space<vmem>>, vector<16xi32>,
        %dma_start3A_767 = arith.constant 0 : i32
        %dma_start3A_768 = arith.constant 0 : i32
        %dma_start3A_769 = arith.constant 0 : i32
        %dma_start3A_770 = tpu.memref_slice %arg8[%dma_start3A_767, %dma_start3A_768, %dma_start3A_769] : memref<2x200x64xf32, #tpu.memory_space<vmem>> -> memref<1x200x64xf32, #tpu.memory_space<vmem>>
        %dma_start3A_771 = tpu.memref_squeeze %dma_start3A_770 : memref<1x200x64xf32, #tpu.memory_space<vmem>> -> memref<200x64xf32, #tpu.memory_space<vmem>>
        %dma_start3A_772 = arith.constant 0 : i32
        %dma_start3A_773 = arith.constant 0 : i32
        %dma_start3A_774 = tpu.memref_slice %dma_start3A_771[%dma_start3A_772, %dma_start3A_773] : memref<200x64xf32, #tpu.memory_space<vmem>> -> memref<104x64xf32, #tpu.memory_space<vmem>>
        %dma_start3A_775 = arith.constant 0 : i32
        %dma_start3A_776 = tpu.memref_slice %arg5[%dma_start3A_775] : memref<400xi32, #tpu.memory_space<vmem>> -> memref<104xi32, #tpu.memory_space<vmem>>
        %dma_start3A_777 = arith.constant 0 : i32
        %dma_start3A_778 = arith.constant 0 : i32
        %dma_start3A_779 = tpu.memref_slice %arg3[%dma_start3A_777, %dma_start3A_778] : memref<100000x64xf32, #tpu.memory_space<hbm>> -> memref<100000x64xf32, #tpu.memory_space<hbm>>
        tpu.enqueue_indirect_dma source(%dma_start3A_779 : memref<100000x64xf32, #tpu.memory_space<hbm>>) target(%dma_start3A_774 : memref<104x64xf32, #tpu.memory_space<vmem>>) offsets(%dma_start3A_776 : memref<104xi32, #tpu.memory_space<vmem>>) semaphore(%arg12 : memref<!tpu.dma_semaphore, #tpu.memory_space<semaphore_mem>>)
        %dma_start3A_780 = arith.constant 0 : i32
        %dma_start3A_781 = arith.constant 0 : i32
        %dma_start3A_782 = arith.constant 0 : i32
        %dma_start3A_783 = tpu.memref_slice %arg8[%dma_start3A_780, %dma_start3A_781, %dma_start3A_782] : memref<2x200x64xf32, #tpu.memory_space<vmem>> -> memref<1x200x64xf32, #tpu.memory_space<vmem>>
        %dma_start3A_784 = tpu.memref_squeeze %dma_start3A_783 : memref<1x200x64xf32, #tpu.memory_space<vmem>> -> memref<200x64xf32, #tpu.memory_space<vmem>>
        %dma_start3A_785 = arith.constant 104 : i32
        %dma_start3A_786 = arith.constant 0 : i32
        %dma_start3A_787 = tpu.memref_slice %dma_start3A_784[%dma_start3A_785, %dma_start3A_786] : memref<200x64xf32, #tpu.memory_space<vmem>> -> memref<96x64xf32, #tpu.memory_space<vmem>>
        %dma_start3A_788 = arith.constant 104 : i32
        %dma_start3A_789 = tpu.memref_slice %arg5[%dma_start3A_788] : memref<400xi32, #tpu.memory_space<vmem>> -> memref<96xi32, #tpu.memory_space<vmem>>
        %dma_start3A_790 = arith.constant 0 : i32
        %dma_start3A_791 = arith.constant 0 : i32
        %dma_start3A_792 = tpu.memref_slice %arg3[%dma_start3A_790, %dma_start3A_791] : memref<100000x64xf32, #tpu.memory_space<hbm>> -> memref<100000x64xf32, #tpu.memory_space<hbm>>
        tpu.enqueue_indirect_dma source(%dma_start3A_792 : memref<100000x64xf32, #tpu.memory_space<hbm>>) target(%dma_start3A_787 : memref<96x64xf32, #tpu.memory_space<vmem>>) offsets(%dma_start3A_789 : memref<96xi32, #tpu.memory_space<vmem>>) semaphore(%arg12 : memref<!tpu.dma_semaphore, #tpu.memory_space<semaphore_mem>>)
        %dma_start3A_793 = arith.constant 1 : i32
        %dma_start3A_794 = arith.constant 0 : i32
        %dma_start3A_795 = arith.constant 0 : i32
        %dma_start3A_796 = tpu.memref_slice %arg8[%dma_start3A_793, %dma_start3A_794, %dma_start3A_795] : memref<2x200x64xf32, #tpu.memory_space<vmem>> -> memref<1x200x64xf32, #tpu.memory_space<vmem>>
        %dma_start3A_797 = tpu.memref_squeeze %dma_start3A_796 : memref<1x200x64xf32, #tpu.memory_space<vmem>> -> memref<200x64xf32, #tpu.memory_space<vmem>>
        %dma_start3A_798 = arith.constant 0 : i32
        %dma_start3A_799 = arith.constant 0 : i32
        %dma_start3A_800 = tpu.memref_slice %dma_start3A_797[%dma_start3A_798, %dma_start3A_799] : memref<200x64xf32, #tpu.memory_space<vmem>> -> memref<104x64xf32, #tpu.memory_space<vmem>>
        %dma_start3A_801 = arith.constant 200 : i32
        %dma_start3A_802 = tpu.memref_slice %arg5[%dma_start3A_801] : memref<400xi32, #tpu.memory_space<vmem>> -> memref<104xi32, #tpu.memory_space<vmem>>
        %dma_start3A_803 = arith.constant 0 : i32
        %dma_start3A_804 = arith.constant 0 : i32
        %dma_start3A_805 = tpu.memref_slice %arg3[%dma_start3A_803, %dma_start3A_804] : memref<100000x64xf32, #tpu.memory_space<hbm>> -> memref<100000x64xf32, #tpu.memory_space<hbm>>
        tpu.enqueue_indirect_dma source(%dma_start3A_805 : memref<100000x64xf32, #tpu.memory_space<hbm>>) target(%dma_start3A_800 : memref<104x64xf32, #tpu.memory_space<vmem>>) offsets(%dma_start3A_802 : memref<104xi32, #tpu.memory_space<vmem>>) semaphore(%arg12 : memref<!tpu.dma_semaphore, #tpu.memory_space<semaphore_mem>>)
        %dma_start3A_806 = arith.constant 1 : i32
        %dma_start3A_807 = arith.constant 0 : i32
        %dma_start3A_808 = arith.constant 0 : i32
        %dma_start3A_809 = tpu.memref_slice %arg8[%dma_start3A_806, %dma_start3A_807, %dma_start3A_808] : memref<2x200x64xf32, #tpu.memory_space<vmem>> -> memref<1x200x64xf32, #tpu.memory_space<vmem>>
        %dma_start3A_810 = tpu.memref_squeeze %dma_start3A_809 : memref<1x200x64xf32, #tpu.memory_space<vmem>> -> memref<200x64xf32, #tpu.memory_space<vmem>>
        %dma_start3A_811 = arith.constant 104 : i32
        %dma_start3A_812 = arith.constant 0 : i32
        %dma_start3A_813 = tpu.memref_slice %dma_start3A_810[%dma_start3A_811, %dma_start3A_812] : memref<200x64xf32, #tpu.memory_space<vmem>> -> memref<96x64xf32, #tpu.memory_space<vmem>>
        %dma_start3A_814 = arith.constant 304 : i32
        %dma_start3A_815 = tpu.memref_slice %arg5[%dma_start3A_814] : memref<400xi32, #tpu.memory_space<vmem>> -> memref<96xi32, #tpu.memory_space<vmem>>
        %dma_start3A_816 = arith.constant 0 : i32
        %dma_start3A_817 = arith.constant 0 : i32
        %dma_start3A_818 = tpu.memref_slice %arg3[%dma_start3A_816, %dma_start3A_817] : memref<100000x64xf32, #tpu.memory_space<hbm>> -> memref<100000x64xf32, #tpu.memory_space<hbm>>
        tpu.enqueue_indirect_dma source(%dma_start3A_818 : memref<100000x64xf32, #tpu.memory_space<hbm>>) target(%dma_start3A_813 : memref<96x64xf32, #tpu.memory_space<vmem>>) offsets(%dma_start3A_815 : memref<96xi32, #tpu.memory_space<vmem>>) semaphore(%arg12 : memref<!tpu.dma_semaphore, #tpu.memory_space<semaphore_mem>>)
      } else {
      }
      %mul3A_492 = arith.constant 2 : i32
      %mul3A_493 = arith.muli %add3A_481, %mul3A_492 : i32
      %add3A_494 = arith.addi %mul3A_2, %mul3A_493 : i32
      %dma_wait3A_495 = arith.constant 0 : i32
      %dma_wait3A_496 = arith.constant 0 : i32
      %dma_wait3A_497 = tpu.memref_slice %arg4[%add3A_494, %dma_wait3A_495, %dma_wait3A_496] : memref<4096x200x128xf32, #tpu.memory_space<hbm>> -> memref<2x200x128xf32, #tpu.memory_space<hbm>>
      %dma_wait3A_498 = arith.constant 0 : i32
      %dma_wait3A_499 = arith.constant 0 : i32
      %dma_wait3A_500 = arith.constant 0 : i32
      %dma_wait3A_501 = tpu.memref_slice %dma_wait3A_497[%dma_wait3A_498, %dma_wait3A_499, %dma_wait3A_500] : memref<2x200x128xf32, #tpu.memory_space<hbm>> -> memref<2x200x64xf32, #tpu.memory_space<hbm>>
      %dma_wait3A_502 = arith.constant 0 : i32
      %dma_wait3A_503 = arith.constant 0 : i32
      %dma_wait3A_504 = tpu.memref_slice %arg4[%add3A_494, %dma_wait3A_502, %dma_wait3A_503] : memref<4096x200x128xf32, #tpu.memory_space<hbm>> -> memref<2x200x128xf32, #tpu.memory_space<hbm>>
      %dma_wait3A_505 = arith.constant 0 : i32
      %dma_wait3A_506 = arith.constant 0 : i32
      %dma_wait3A_507 = arith.constant 0 : i32
      %dma_wait3A_508 = tpu.memref_slice %dma_wait3A_504[%dma_wait3A_505, %dma_wait3A_506, %dma_wait3A_507] : memref<2x200x128xf32, #tpu.memory_space<hbm>> -> memref<2x200x64xf32, #tpu.memory_space<hbm>>
      tpu.wait_dma2 semaphore(%arg12 : memref<!tpu.dma_semaphore, #tpu.memory_space<semaphore_mem>>) src(%dma_wait3A_508 : memref<2x200x64xf32, #tpu.memory_space<hbm>>) dst(%arg10 : memref<2x200x64xf32, #tpu.memory_space<vmem>>)
      %lt3A_509 = arith.constant 62 : i32
      %lt3A_510 = arith.cmpi slt, %add3A_481, %lt3A_509 : i32
      %convert_element_type3A_511 = arith.extui %lt3A_510 : i1 to i32
      %cond3A_512 = arith.constant 0 : i32
      %cond3A_513 = arith.cmpi ne, %convert_element_type3A_511, %cond3A_512 : i32
      scf.if %cond3A_513 {
        %add3A_531 = arith.constant 2 : i32
        %add3A_532 = arith.addi %add3A_481, %add3A_531 : i32
        %mul3A_533 = arith.constant 2 : i32
        %mul3A_534 = arith.muli %add3A_532, %mul3A_533 : i32
        %add3A_535 = arith.addi %mul3A_2, %mul3A_534 : i32
        %mul3A_536 = arith.constant 200 : i32
        %mul3A_537 = arith.muli %add3A_535, %mul3A_536 : i32
        %dma_start3A_538 = tpu.memref_slice %arg2[%mul3A_537] : memref<819200xi32, #tpu.memory_space<hbm>> -> memref<400xi32, #tpu.memory_space<hbm>>
        %dma_start3A_539 = tpu.memref_slice %arg2[%mul3A_537] : memref<819200xi32, #tpu.memory_space<hbm>> -> memref<400xi32, #tpu.memory_space<hbm>>
        tpu.enqueue_dma source(%dma_start3A_539 : memref<400xi32, #tpu.memory_space<hbm>>) target(%arg6 : memref<400xi32, #tpu.memory_space<vmem>>) target_semaphore(%arg11 : memref<!tpu.dma_semaphore, #tpu.memory_space<semaphore_mem>>)
      } else {
      }
      %mul3A_514 = arith.constant 2 : i32
      %mul3A_515 = arith.muli %add3A_481, %mul3A_514 : i32
      %add3A_516 = arith.addi %mul3A_2, %mul3A_515 : i32
      %dma_start3A_517 = arith.constant 0 : i32
      %dma_start3A_518 = arith.constant 0 : i32
      %dma_start3A_519 = tpu.memref_slice %arg4[%add3A_516, %dma_start3A_517, %dma_start3A_518] : memref<4096x200x128xf32, #tpu.memory_space<hbm>> -> memref<2x200x128xf32, #tpu.memory_space<hbm>>
      %dma_start3A_520 = arith.constant 0 : i32
      %dma_start3A_521 = arith.constant 0 : i32
      %dma_start3A_522 = arith.constant 0 : i32
      %dma_start3A_523 = tpu.memref_slice %dma_start3A_519[%dma_start3A_520, %dma_start3A_521, %dma_start3A_522] : memref<2x200x128xf32, #tpu.memory_space<hbm>> -> memref<2x200x64xf32, #tpu.memory_space<hbm>>
      %dma_start3A_524 = arith.constant 0 : i32
      %dma_start3A_525 = arith.constant 0 : i32
      %dma_start3A_526 = tpu.memref_slice %arg4[%add3A_516, %dma_start3A_524, %dma_start3A_525] : memref<4096x200x128xf32, #tpu.memory_space<hbm>> -> memref<2x200x128xf32, #tpu.memory_space<hbm>>
      %dma_start3A_527 = arith.constant 0 : i32
      %dma_start3A_528 = arith.constant 0 : i32
      %dma_start3A_529 = arith.constant 0 : i32
      %dma_start3A_530 = tpu.memref_slice %dma_start3A_526[%dma_start3A_527, %dma_start3A_528, %dma_start3A_529] : memref<2x200x128xf32, #tpu.memory_space<hbm>> -> memref<2x200x64xf32, #tpu.memory_space<hbm>>
      tpu.enqueue_dma source(%arg10 : memref<2x200x64xf32, #tpu.memory_space<vmem>>) target(%dma_start3A_530 : memref<2x200x64xf32, #tpu.memory_space<hbm>>) target_semaphore(%arg13 : memref<!tpu.dma_semaphore, #tpu.memory_space<semaphore_mem>>)
    }
    %scan3A_294 = arith.constant 21 : i32
    %add3A_295 = arith.constant 122 : i32
    %add3A_296 = arith.addi %mul3A_2, %add3A_295 : i32
    %dma_wait3A_297 = arith.constant 0 : i32
    %dma_wait3A_298 = arith.constant 0 : i32
    %dma_wait3A_299 = tpu.memref_slice %arg4[%add3A_296, %dma_wait3A_297, %dma_wait3A_298] : memref<4096x200x128xf32, #tpu.memory_space<hbm>> -> memref<2x200x128xf32, #tpu.memory_space<hbm>>
    %dma_wait3A_300 = arith.constant 0 : i32
    %dma_wait3A_301 = arith.constant 0 : i32
    %dma_wait3A_302 = arith.constant 0 : i32
    %dma_wait3A_303 = tpu.memref_slice %dma_wait3A_299[%dma_wait3A_300, %dma_wait3A_301, %dma_wait3A_302] : memref<2x200x128xf32, #tpu.memory_space<hbm>> -> memref<2x200x64xf32, #tpu.memory_space<hbm>>
    %dma_wait3A_304 = arith.constant 0 : i32
    %dma_wait3A_305 = arith.constant 0 : i32
    %dma_wait3A_306 = tpu.memref_slice %arg4[%add3A_296, %dma_wait3A_304, %dma_wait3A_305] : memref<4096x200x128xf32, #tpu.memory_space<hbm>> -> memref<2x200x128xf32, #tpu.memory_space<hbm>>
    %dma_wait3A_307 = arith.constant 0 : i32
    %dma_wait3A_308 = arith.constant 0 : i32
    %dma_wait3A_309 = arith.constant 0 : i32
    %dma_wait3A_310 = tpu.memref_slice %dma_wait3A_306[%dma_wait3A_307, %dma_wait3A_308, %dma_wait3A_309] : memref<2x200x128xf32, #tpu.memory_space<hbm>> -> memref<2x200x64xf32, #tpu.memory_space<hbm>>
    tpu.wait_dma2 semaphore(%arg13 : memref<!tpu.dma_semaphore, #tpu.memory_space<semaphore_mem>>) src(%arg9 : memref<2x200x64xf32, #tpu.memory_space<vmem>>) dst(%dma_wait3A_310 : memref<2x200x64xf32, #tpu.memory_space<hbm>>)
    %add3A_311 = arith.constant 126 : i32
    %add3A_312 = arith.addi %mul3A_2, %add3A_311 : i32
    %dma_wait3A_313 = arith.constant 0 : i32
    %dma_wait3A_314 = arith.constant 0 : i32
    %dma_wait3A_315 = tpu.memref_slice %arg4[%add3A_312, %dma_wait3A_313, %dma_wait3A_314] : memref<4096x200x128xf32, #tpu.memory_space<hbm>> -> memref<2x200x128xf32, #tpu.memory_space<hbm>>
    %dma_wait3A_316 = arith.constant 0 : i32
    %dma_wait3A_317 = arith.constant 0 : i32
    %dma_wait3A_318 = arith.constant 0 : i32
    %dma_wait3A_319 = tpu.memref_slice %dma_wait3A_315[%dma_wait3A_316, %dma_wait3A_317, %dma_wait3A_318] : memref<2x200x128xf32, #tpu.memory_space<hbm>> -> memref<2x200x64xf32, #tpu.memory_space<hbm>>
    %dma_wait3A_320 = arith.constant 0 : i32
    %dma_wait3A_321 = arith.constant 0 : i32
    %dma_wait3A_322 = tpu.memref_slice %arg4[%add3A_312, %dma_wait3A_320, %dma_wait3A_321] : memref<4096x200x128xf32, #tpu.memory_space<hbm>> -> memref<2x200x128xf32, #tpu.memory_space<hbm>>
    %dma_wait3A_323 = arith.constant 0 : i32
    %dma_wait3A_324 = arith.constant 0 : i32
    %dma_wait3A_325 = arith.constant 0 : i32
    %dma_wait3A_326 = tpu.memref_slice %dma_wait3A_322[%dma_wait3A_323, %dma_wait3A_324, %dma_wait3A_325] : memref<2x200x128xf32, #tpu.memory_space<hbm>> -> memref<2x200x64xf32, #tpu.memory_space<hbm>>
    tpu.wait_dma2 semaphore(%arg12 : memref<!tpu.dma_semaphore, #tpu.memory_space<semaphore_mem>>) src(%dma_wait3A_326 : memref<2x200x64xf32, #tpu.memory_space<hbm>>) dst(%arg8 : memref<2x200x64xf32, #tpu.memory_space<vmem>>)
    %add3A_327 = arith.constant 126 : i32
    %add3A_328 = arith.addi %mul3A_2, %add3A_327 : i32
    %dma_start3A_329 = arith.constant 0 : i32
    %dma_start3A_330 = arith.constant 0 : i32
    %dma_start3A_331 = tpu.memref_slice %arg4[%add3A_328, %dma_start3A_329, %dma_start3A_330] : memref<4096x200x128xf32, #tpu.memory_space<hbm>> -> memref<2x200x128xf32, #tpu.memory_space<hbm>>
    %dma_start3A_332 = arith.constant 0 : i32
    %dma_start3A_333 = arith.constant 0 : i32
    %dma_start3A_334 = arith.constant 0 : i32
    %dma_start3A_335 = tpu.memref_slice %dma_start3A_331[%dma_start3A_332, %dma_start3A_333, %dma_start3A_334] : memref<2x200x128xf32, #tpu.memory_space<hbm>> -> memref<2x200x64xf32, #tpu.memory_space<hbm>>
    %dma_start3A_336 = arith.constant 0 : i32
    %dma_start3A_337 = arith.constant 0 : i32
    %dma_start3A_338 = tpu.memref_slice %arg4[%add3A_328, %dma_start3A_336, %dma_start3A_337] : memref<4096x200x128xf32, #tpu.memory_space<hbm>> -> memref<2x200x128xf32, #tpu.memory_space<hbm>>
    %dma_start3A_339 = arith.constant 0 : i32
    %dma_start3A_340 = arith.constant 0 : i32
    %dma_start3A_341 = arith.constant 0 : i32
    %dma_start3A_342 = tpu.memref_slice %dma_start3A_338[%dma_start3A_339, %dma_start3A_340, %dma_start3A_341] : memref<2x200x128xf32, #tpu.memory_space<hbm>> -> memref<2x200x64xf32, #tpu.memory_space<hbm>>
    tpu.enqueue_dma source(%arg8 : memref<2x200x64xf32, #tpu.memory_space<vmem>>) target(%dma_start3A_342 : memref<2x200x64xf32, #tpu.memory_space<hbm>>) target_semaphore(%arg13 : memref<!tpu.dma_semaphore, #tpu.memory_space<semaphore_mem>>)
    %add3A_343 = arith.constant 124 : i32
    %add3A_344 = arith.addi %mul3A_2, %add3A_343 : i32
    %dma_wait3A_345 = arith.constant 0 : i32
    %dma_wait3A_346 = arith.constant 0 : i32
    %dma_wait3A_347 = tpu.memref_slice %arg4[%add3A_344, %dma_wait3A_345, %dma_wait3A_346] : memref<4096x200x128xf32, #tpu.memory_space<hbm>> -> memref<2x200x128xf32, #tpu.memory_space<hbm>>
    %dma_wait3A_348 = arith.constant 0 : i32
    %dma_wait3A_349 = arith.constant 0 : i32
    %dma_wait3A_350 = arith.constant 0 : i32
    %dma_wait3A_351 = tpu.memref_slice %dma_wait3A_347[%dma_wait3A_348, %dma_wait3A_349, %dma_wait3A_350] : memref<2x200x128xf32, #tpu.memory_space<hbm>> -> memref<2x200x64xf32, #tpu.memory_space<hbm>>
    %dma_wait3A_352 = arith.constant 0 : i32
    %dma_wait3A_353 = arith.constant 0 : i32
    %dma_wait3A_354 = tpu.memref_slice %arg4[%add3A_344, %dma_wait3A_352, %dma_wait3A_353] : memref<4096x200x128xf32, #tpu.memory_space<hbm>> -> memref<2x200x128xf32, #tpu.memory_space<hbm>>
    %dma_wait3A_355 = arith.constant 0 : i32
    %dma_wait3A_356 = arith.constant 0 : i32
    %dma_wait3A_357 = arith.constant 0 : i32
    %dma_wait3A_358 = tpu.memref_slice %dma_wait3A_354[%dma_wait3A_355, %dma_wait3A_356, %dma_wait3A_357] : memref<2x200x128xf32, #tpu.memory_space<hbm>> -> memref<2x200x64xf32, #tpu.memory_space<hbm>>
    tpu.wait_dma2 semaphore(%arg13 : memref<!tpu.dma_semaphore, #tpu.memory_space<semaphore_mem>>) src(%arg10 : memref<2x200x64xf32, #tpu.memory_space<vmem>>) dst(%dma_wait3A_358 : memref<2x200x64xf32, #tpu.memory_space<hbm>>)
    %add3A_359 = arith.constant 126 : i32
    %add3A_360 = arith.addi %mul3A_2, %add3A_359 : i32
    %dma_wait3A_361 = arith.constant 0 : i32
    %dma_wait3A_362 = arith.constant 0 : i32
    %dma_wait3A_363 = tpu.memref_slice %arg4[%add3A_360, %dma_wait3A_361, %dma_wait3A_362] : memref<4096x200x128xf32, #tpu.memory_space<hbm>> -> memref<2x200x128xf32, #tpu.memory_space<hbm>>
    %dma_wait3A_364 = arith.constant 0 : i32
    %dma_wait3A_365 = arith.constant 0 : i32
    %dma_wait3A_366 = arith.constant 0 : i32
    %dma_wait3A_367 = tpu.memref_slice %dma_wait3A_363[%dma_wait3A_364, %dma_wait3A_365, %dma_wait3A_366] : memref<2x200x128xf32, #tpu.memory_space<hbm>> -> memref<2x200x64xf32, #tpu.memory_space<hbm>>
    %dma_wait3A_368 = arith.constant 0 : i32
    %dma_wait3A_369 = arith.constant 0 : i32
    %dma_wait3A_370 = tpu.memref_slice %arg4[%add3A_360, %dma_wait3A_368, %dma_wait3A_369] : memref<4096x200x128xf32, #tpu.memory_space<hbm>> -> memref<2x200x128xf32, #tpu.memory_space<hbm>>
    %dma_wait3A_371 = arith.constant 0 : i32
    %dma_wait3A_372 = arith.constant 0 : i32
    %dma_wait3A_373 = arith.constant 0 : i32
    %dma_wait3A_374 = tpu.memref_slice %dma_wait3A_370[%dma_wait3A_371, %dma_wait3A_372, %dma_wait3A_373] : memref<2x200x128xf32, #tpu.memory_space<hbm>> -> memref<2x200x64xf32, #tpu.memory_space<hbm>>
    tpu.wait_dma2 semaphore(%arg13 : memref<!tpu.dma_semaphore, #tpu.memory_space<semaphore_mem>>) src(%arg8 : memref<2x200x64xf32, #tpu.memory_space<vmem>>) dst(%dma_wait3A_374 : memref<2x200x64xf32, #tpu.memory_space<hbm>>)
    return
  }
}

</mosaic_0001>

<sc_bundles>
// kernel: _embedding_gather.3.cloned.1.call-start
scs
__scs_entry_jumppad:
0x0: {  	(pc) =	sbr.rel $0x88, $3  }
0x1: {  	(tag) =	ssettag $0x0;
	lr =	simm.s32 $0x1  }
0x2: {  	[smem:$0x3F9F] =	sst lr;
	_ =	strace $0xD0000000  }
0x3: {  	_ = 	snop  }
0x4: {  	_ = 	snop  }
0x5: {  	_ = 	snop  }
0x6: {  	_ = 	snop  }
0x7: {  	_ = 	snop  }
__scs_overlays_trampoline_lowered:
0x8: {  	[smem:$0x3FAE] =	sst s0  }
0x9: {  	[smem:$0x3FAF] =	sst s1  }
0xa: {  	[smem:$0x3FB0] =	sst s2  }
0xb: {  	[smem:$0x3FB1] =	sst s3  }
0xc: {  	[smem:$0x3FB2] =	sst s4  }
0xd: {  	[smem:$0x3FB3] =	sst s5  }
0xe: {  	[smem:$0x3FB4] =	sst s6  }
0xf: {  	[smem:$0x3FB5] =	sst s7  }
0x10: {  	[smem:$0x3FB6] =	sst s8  }
0x11: {  	[smem:$0x3FB7] =	sst s9;
	s0 =	simm.s32 @!p0 $0x0  }
0x12: {  	s1 =	sld [smem:$0x3F9D];
	s0 =	simm.s32 @p0 $0x1  }
0x13: {  	[smem:$0x3FB8] =	sst s0;
	s0 =	simm.s32 @!p1 $0x0  }
0x14: {  	s2 =	sld [smem:$0x3F9C];
	s0 =	simm.s32 @p1 $0x1  }
0x15: {  	[smem:$0x3FB9] =	sst s0;
	s0 =	simm.s32 @!p2 $0x0  }
0x16: {  	s3 =	sld [smem:$0x3FDB];
	s0 =	simm.s32 @p2 $0x1  }
0x17: {  	s4 =	simm.s32 $0x1BF5;
	[smem:$0x3FBB] =	sst s0  }
0x18: {  	s0 =	sld [smem:$0x3F9E];
	_ =	swait.ge [sflag:s4], $0x0  }
0x19: {  	s7 =	sld [smem:$0x3F9F]  }
0x1a: {  	s8 =	sadd.s32 $0xFFFFE003, lr  }
0x1b: {  	s9 =	sadd.s32 $0xFFFFFEF7, lr;
	s5 =	simm.s32 $0xFFFFFFFF;
	p2 =	slt.u32 s8, $0xFFFFF086  }
0x1c: {  	p1 =	slt.u32 s9, $0xF7A;
	s5 =	simm.s32 @!p2 $0x0  }
0x1d: {  	s5 =	simm.s32 @p1 $0x1;
	p0 =	seq.s32 s7, s2  }
0x1e: {  	s7 =	smul.u32 @!p0 $0xF7A, s2;
	p2 =	seq.s32 @!p0 s5, $0x0  }
0x1f: {  	s9 =	smul.u32 $0xF7A, s1;
	s8 =	simm.s32 @!p0 $0x1BF5;
	p2 =	por !p2, p0  }
0x20: {  	[sflag:s8] =	ssyncset.s32 @!p0 $0xFFFFF086;
	s6 =	sadd.s32 @!p0 s3, s7;
	s7 =	simm.s32 @!p0 $0x108  }
0x21: {  	s3 =	sadd.s32 s3, s9;
	s6 =	sadd.s32 @!p0 $0x88, s6;
	s7 =	simm.s32 @p2 $0x1082  }
0x22: {  	[simem:s7], [sflag:s8] =	dma.local @!p0 [hbm:s6], $0xF7A  }
0x23: {  	s9 =	sor.u32 $0xD0000000, s2;
	s6 =	simm.s32 $0x108;
	_ =	swait.ge @!p0 [sflag:s8], $0x0  }
0x24: {  	s3 =	sadd.s32 $0x88, s3;
	s6 =	simm.s32 @!p1 $0x1082;
	[sflag:s4] =	ssyncset.s32 $0xFFFFF086  }
0x25: {  	[simem:s6], [sflag:s4] =	dma.local [hbm:s3], $0xF7A  }
0x26: {  	[smem:$0x3F9F] =	sst s1;
	(tag) =	ssettag s2;
	_ =	strace s9  }
0x27: {  	s1 =	sld [smem:$0x3FAF]  }
0x28: {  	s2 =	sld [smem:$0x3FB0]  }
0x29: {  	s4 =	sld [smem:$0x3FB2]  }
0x2a: {  	p0 =	seq.s32 s5, $0x0;
	s5 =	sld [smem:$0x3FB3]  }
0x2b: {  	s6 =	sld [smem:$0x3FB4]  }
0x2c: {  	s7 =	sld [smem:$0x3FB5]  }
0x2d: {  	s3 =	simm.s32 $0x108;
	s8 =	sld [smem:$0x3FB6]  }
0x2e: {  	s3 =	simm.s32 @!p0 $0x1082;
	s9 =	sld [smem:$0x3FB7]  }
0x2f: {  	lr =	sadd.s32 s0, s3;
	s0 =	sld [smem:$0x3FAE]  }
0x30: {  	s3 =	sld [smem:$0x3FB1]  }
0x31: {  	[smem:$0x3FBA] =	sst s10  }
0x32: {  	s10 =	sld [smem:$0x3FB8];
	_ =	sdelay $0x3  }
0x33: {  	p0 =	seq.s32 s10, $0x1;
	s10 =	sld [smem:$0x3FBA];
	_ =	sdelay $0x3  }
0x34: {  	[smem:$0x3FBA] =	sst s10  }
0x35: {  	s10 =	sld [smem:$0x3FB9];
	_ =	sdelay $0x3  }
0x36: {  	p1 =	seq.s32 s10, $0x1;
	s10 =	sld [smem:$0x3FBA];
	_ =	sdelay $0x3  }
0x37: {  	[smem:$0x3FBA] =	sst s10  }
0x38: {  	s10 =	sld [smem:$0x3FBB]  }
0x39: {  	_ = 	snop;
	(pc) =	sbr.ind lr, $3  }
0x3a: {  	_ = 	snop  }
0x3b: {  	_ = 	snop  }
0x3c: {  	p2 =	seq.s32 s10, $0x1;
	s10 =	sld [smem:$0x3FBA]  }
0x3d: {  	_ =	shalt  }
0x3e: {  	_ =	shalt  }
0x3f: {  	_ =	shalt  }
0x40: {  	_ =	shalt  }
0x41: {  	_ =	shalt  }
0x42: {  	_ =	shalt  }
0x43: {  	_ =	shalt  }
0x44: {  	_ =	shalt  }
0x45: {  	_ =	shalt  }
0x46: {  	_ =	shalt  }
0x47: {  	_ =	shalt  }
0x48: {  	_ =	shalt  }
0x49: {  	_ =	shalt  }
0x4a: {  	_ =	shalt  }
0x4b: {  	_ =	shalt  }
0x4c: {  	_ =	shalt  }
0x4d: {  	_ =	shalt  }
0x4e: {  	_ =	shalt  }
0x4f: {  	_ =	shalt  }
0x50: {  	_ =	shalt  }
0x51: {  	_ =	shalt  }
0x52: {  	_ =	shalt  }
0x53: {  	_ =	shalt  }
0x54: {  	_ =	shalt  }
0x55: {  	_ =	shalt  }
0x56: {  	_ =	shalt  }
0x57: {  	_ =	shalt  }
0x58: {  	_ =	shalt  }
0x59: {  	_ =	shalt  }
0x5a: {  	_ =	shalt  }
0x5b: {  	_ =	shalt  }
0x5c: {  	_ =	shalt  }
0x5d: {  	_ =	shalt  }
0x5e: {  	_ =	shalt  }
0x5f: {  	_ =	shalt  }
0x60: {  	_ =	shalt  }
0x61: {  	_ =	shalt  }
0x62: {  	_ =	shalt  }
0x63: {  	_ =	shalt  }
0x64: {  	_ =	shalt  }
0x65: {  	_ =	shalt  }
0x66: {  	_ =	shalt  }
0x67: {  	_ =	shalt  }
0x68: {  	_ =	shalt  }
0x69: {  	_ =	shalt  }
0x6a: {  	_ =	shalt  }
0x6b: {  	_ =	shalt  }
0x6c: {  	_ =	shalt  }
0x6d: {  	_ =	shalt  }
0x6e: {  	_ =	shalt  }
0x6f: {  	_ =	shalt  }
0x70: {  	_ =	shalt  }
0x71: {  	_ =	shalt  }
0x72: {  	_ =	shalt  }
0x73: {  	_ =	shalt  }
0x74: {  	_ =	shalt  }
0x75: {  	_ =	shalt  }
0x76: {  	_ =	shalt  }
0x77: {  	_ =	shalt  }
0x78: {  	_ =	shalt  }
0x79: {  	_ =	shalt  }
0x7a: {  	_ =	shalt  }
0x7b: {  	_ =	shalt  }
0x7c: {  	_ =	shalt  }
0x7d: {  	_ =	shalt  }
0x7e: {  	_ =	shalt  }
0x7f: {  	_ =	shalt  }
0x80: {  	_ =	shalt  }
0x81: {  	_ =	shalt  }
0x82: {  	_ =	shalt  }
0x83: {  	_ =	shalt  }
0x84: {  	_ =	shalt  }
0x85: {  	_ =	shalt  }
0x86: {  	_ =	shalt  }
0x87: {  	_ =	shalt  }
.Lfunc_end0:
.L_simem_size_0:
called_computation_lowered:
.L_overlay_start_0:
0x88: {  	s2 =	sld [smem:$0x3FD9]  }
0x89: {  	s3 =	sld [smem:$0x3FFE];
	_ =	sdelay $0x1  }
0x8a: {  	s1 =	srdreg.scid  }
0x8b: {  	s0 =	sand.u32 $0x1, s1  }
0x8c: {  	s17 =	sshll.u32 s0, $0xA;
	s2 =	sadd.s32 s3, s2  }
0x8d: {  	s2 =	sadd.s32 s2, s17  }
0x8e: {  	[smem:$0x3FC6] =	sst s2  }
0x8f: {  	_ = 	snop  }
0x90: {  	s2 =	sld [smem:$0x3FC9]  }
0x91: {  	s18 =	sld [smem:$0x3FD0];
	(tm) =	ssettm $0x1  }
0x92: {  	s4 =	sld [smem:$0x3FFB];
	_ =	sdelay $0x3  }
0x93: {  	_ =	strace s4  }
0x94: {  	s4 =	sld [smem:$0x3FFC];
	_ =	sdelay $0x3  }
0x95: {  	_ =	strace s4  }
0x96: {  	s4 =	sld [smem:$0x3FFD];
	_ =	sdelay $0x3  }
0x97: {  	_ =	strace s4  }
0x98: {  	_ =	strace $0x8FFFFFFF  }
0x99: {  	s19 =	sld [smem:$0x3FDB];
	_ =	sdelay $0x1  }
0x9a: {  	s5 =	simm.s32 $_scs_section_size  }
0x9b: {  	s6 =	simm.s32 $_size__tile_overlayer_lowered;
	s7 =	simm.s32 $_tile_overlayer_lowered  }
0x9c: {  	s22 =	simm.s32 $0x1BFF;
	s21 =	sshll.u32 s7, $0x1;
	s4 =	sadd.s32 s5, s19  }
0x9d: {  	s8 =	simm.s32 $0x0;
	s20 =	sshll.u32 s6, $0x1;
	s6 =	sadd.s32 s21, s4  }
0x9e: {  	[timem:s8], [sflag:s22] =	dma.local [hbm:s6], s20  }
0x9f: {  	_ =	swait.ge [sflag:s22], s20  }
0xa0: {  	s5 =	ssub.s32 $0x0, s20;
	[sflag:s22] =	ssyncset.done $0x0  }
0xa1: {  	[sflag:s22] =	ssyncadd.s32 s5;
	_ =	sdelay $0x1  }
0xa2: {  	s23 =	simm.s32 $0x1B8B  }
0xa3: {  	_ =	swait.ge [sflag:s23], $0x1  }
0xa4: {  	[sflag:s23] =	ssyncset.done $0x0  }
0xa5: {  	s25 =	simm.s32 $0x1B8E;
	s24 =	sld [smem:$0x3FFE];
	[sflag:s23] =	ssyncadd.s32 $0xFFFFFFFF  }
0xa6: {  	s26 =	simm.s32 $execute0_lowered;
	[smem:$0x3FD2] =	sst s25  }
0xa7: {  	s6 =	sshll.u32 s26, $0x1;
	_ =	strace $0x80000046;
	[dreg:$0x1] =	wrdreg $0xFFFFFFFF  }
0xa8: {  	s28 =	simm.s32 $_size_execute0_lowered;
	s4 =	sadd.s32 s4, s6;
	[dreg:$0x0] =	wrdreg $0x0  }
0xa9: {  	s6 =	sshll.u32 s28, $0x1;
	[dreg:$0x2] =	wrdreg s4  }
0xaa: {  	[dreg:$0x3] =	wrdreg s6  }
0xab: {  	[dreg:$0x4] =	wrdreg $0xC0  }
0xac: {  	_ =	task [dreg:s8], $0x5FFFF  }
0xad: {  	[dreg:$0x1] =	wrdreg $0xFFFFFFFF  }
0xae: {  	[dreg:$0x0] =	wrdreg $0x60  }
0xaf: {  	[dreg:$0x2] =	wrdreg s2  }
0xb0: {  	[dreg:$0x3] =	wrdreg s24  }
0xb1: {  	[dreg:$0x4] =	wrdreg s18  }
0xb2: {  	[dreg:$0x5] =	wrdreg $0x9  }
0xb3: {  	_ =	task.clear_ibuf [dreg:s8], $0x6FFFF;
	_ =	strace $0x90000046  }
0xb4: {  	s29 =	simm.s32 $0x9;
	_ =	strace $0x80000048  }
0xb5: {  	_ =	swait.ge [sflag:s29], $0x1  }
0xb6: {  	[sflag:s29] =	ssyncadd.s32 $0xFFFFFFFF  }
0xb7: {  	_ =	strace $0x90000048  }
0xb8: {  	_ =	sfence  }
0xb9: {  	s30 =	sld [smem:$0x0];
	_ =	sdelay $0x2  }
0xba: {  	s31 =	sshll.u32 s1, $0xD;
	s1 =	sshrl.u32 s1, $0x2  }
0xbb: {  	s3 =	sand.u32 $0x4000, s31;
	s1 =	sadd.s32 s1, s30  }
0xbc: {  	s0 =	sor.u32 s3, s0;
	s1 =	sshll.u32 s1, $0x11  }
0xbd: {  	s0 =	sor.u32 s1, s0  }
0xbe: {  	s0 =	sadd.s32 $0x8F2B, s0  }
0xbf: {  	[sflag:s0] =	ssyncadd.remote.s32 $0x1  }
0xc0: {  	_ =	sfence.sel $0xFFFF  }
0xc1: {  	[dreg:$0x0] =	wrdreg $0xFFFFFFFF;
	(pc) =	sbr.abs _section_cstart, $3  }
0xc2: {  	[dreg:$0x1] =	wrdreg $0xFFFFFFFF  }
0xc3: {  	_ =	task.clear_ibuf [dreg:s8], $0x2FFFF;
	_ =	strace $0x9FFFFFFF  }
0xc4: {  	(tm) =	ssettm $0x7FFFFFFF  }
0xc5: {  	_ =	shalt  }
tec
execute0_lowered:
.L_overlay_start_1:
0x0: {  	(tag) =	ssettag $0x1  }
0x1: {  	s1 =	rddreg [dreg:$0x0]  }
0x2: {  	s3 =	rddreg [dreg:$0x1]  }
0x3: {  	s2 =	srdreg.scid;
	s0 =	stileid.u32  }
0x4: {  	s6 =	rddreg [dreg:$0x2];
	s18 =	simm.s32 $0x1F8;
	s19 =	simm.s32 $0x82B0  }
0x5: {  	s20 =	simm.s32 $0x258;
	s21 =	simm.s32 $0x9AB0;
	s22 =	simm.s32 $0x2C0  }
0x6: {  	s23 =	simm.s32 $0xB4B0;
	s24 =	simm.s32 $0x388;
	s25 =	simm.s32 $0xE6B0  }
0x7: {  	s26 =	simm.s32 $0x3E8;
	s7 =	sand.u32 $0x1, s2;
	s2 =	simm.s32 $0x0  }
0x8: {  	s29 =	simm.s32 $0xFEB0;
	s30 =	simm.s32 $0x450;
	[smem:$0x7FF] =	sst s2  }
0x9: {  	s31 =	simm.s32 $0x118B0;
	_ =	strace $0x80000047;
	[dreg:$0x4] =	wrdreg s18  }
0xa: {  	s28 =	simm.s32 $0x0;
	s10 =	smul.u32 $0x1900, s0;
	[dreg:$0x5] =	wrdreg s19  }
0xb: {  	s4 =	sshll.u32 s0, $0x1;
	s11 =	smul.u32 $0xC8000, s0;
	[dreg:$0x6] =	wrdreg s20  }
0xc: {  	s4 =	sor.u32 s7, s4;
	s12 =	smul.u32 $0x64000, s7;
	[dreg:$0x7] =	wrdreg s21  }
0xd: {  	s3 =	sadd.s32 $0x400, s3;
	s5 =	smul.u32 $0xC80, s4;
	[dreg:$0x8] =	wrdreg s22  }
0xe: {  	s8 =	ssub.s32 $0x2, s7;
	s9 =	smul.u32 $0x320000, s4;
	[dreg:$0x9] =	wrdreg s23  }
0xf: {  	s13 =	sshrl.u32 s8, $0x1;
	s15 =	sadd.s32 s11, s6;
	[dreg:$0xa] =	wrdreg s24  }
0x10: {  	s11 =	simm.s32 $0x68;
	s18 =	simm.s32 $0x50B0;
	[dreg:$0xb] =	wrdreg s25  }
0x11: {  	s19 =	simm.s32 $0x190;
	s20 =	simm.s32 $0x68B0;
	[dreg:$0xc] =	wrdreg s26  }
0x12: {  	s21 =	simm.s32 $0x2;
	[dreg:$0xd] =	wrdreg s29;
	s22 =	simm.s32 $0x320  }
0x13: {  	[dreg:$0xe] =	wrdreg s30;
	s23 =	simm.s32 $0x40;
	s24 =	simm.s32 $0x80  }
0x14: {  	[dreg:$0xf] =	wrdreg s31;
	s25 =	simm.s32 $0xCCB0;
	s26 =	simm.s32 $0x3  }
0x15: {  	s8 =	ssub.s32 s8, s13;
	s13 =	smul.u32 $0xC80, s7;
	s17 =	sadd.s32 s12, s15  }
0x16: {  	s12 =	simm.s32 $0x4B0;
	s15 =	simm.s32 $0xC8;
	s4 =	sadd.s32 s1, s5  }
0x17: {  	s9 =	sshrl.u32 s9, $0x3;
	s1 =	sadd.s32 s10, s1;
	s7 =	smax.u32 s8, $0x1  }
0x18: {  	s10 =	simm.s32 $0x1;
	s14 =	sadd.s32 $0x32, s4;
	s9 =	sadd.s32 s6, s9  }
0x19: {  	s8 =	sadd.s32 s13, s1;
	s13 =	simm.s32 $0x60;
	[dreg:$0x10] =	wrdreg s14  }
0x1a: {  	s16 =	sadd.s32 $0x62700, s9;
	s9 =	sadd.s32 $0x1900, s17;
	s14 =	simm.s32 $0x1EB0  }
0x1b: {  	s17 =	simm.s32 $0x130;
	[dreg:$0x11] =	wrdreg s16;
	s16 =	simm.s32 $0x36B0  }
.LBB2_1:
0x1c: {  	[tilespmem:s2], [sflag:$0x1] =	stream.linear.gather [hbm4b:s4+s2], $0x190, $0x38;
	[tilespmem:$0x130B0] =	vst v63  }
0x1d: {  	_ =	swait.ge [sflag:s10], $0x190  }
0x1e: {  	[sflag:s10] =	ssyncset.done $0x0  }
0x1f: {  	[sflag:s10] =	ssyncadd.s32 $0xFFFFFE70  }
0x20: {  	v0 =	vld [tilespmem:$0x0]  }
0x21: {  	v1 =	vld [tilespmem:$0x10]  }
0x22: {  	v2 =	vld [tilespmem:$0x20]  }
0x23: {  	v3 =	vld [tilespmem:$0x30]  }
0x24: {  	v4 =	vld [tilespmem:$0x40]  }
0x25: {  	v5 =	vld [tilespmem:$0x50];
	vm0 =	vgt.s32 v0, $0x0  }
0x26: {  	v6 =	vld [tilespmem:$0x60];
	vm4 =	vgt.s32 v1, $0x0;
	v0 =	vnsel vm0, $0x0, v0  }
0x27: {  	v7 =	vld [tilespmem:$0x70];
	vm5 =	vgt.s32 v2, $0x0;
	v1 =	vnsel vm4, $0x0, v1;
	v0 =	vmin.u32 v0, $0x1869F  }
0x28: {  	v60 =	vld [tilespmem:$0x80];
	vm6 =	vgt.s32 v3, $0x0;
	v59 =	vnsel vm5, $0x0, v2;
	v58 =	vmin.u32 v1, $0x1869F;
	[tilespmem:$0x0] =	vst v0  }
0x29: {  	v63 =	vld [tilespmem:$0x90];
	vm7 =	vgt.s32 v4, $0x0;
	v62 =	vnsel vm6, $0x0, v3;
	v61 =	vmin.u32 v59, $0x1869F;
	[tilespmem:$0x10] =	vst v58  }
0x2a: {  	v10 =	vld [tilespmem:$0xA0];
	vm8 =	vgt.s32 v5, $0x0;
	v9 =	vnsel vm7, $0x0, v4;
	v8 =	vmin.u32 v62, $0x1869F;
	[tilespmem:$0x20] =	vst v61  }
0x2b: {  	v13 =	vld [tilespmem:$0xB0];
	vm9 =	vgt.s32 v6, $0x0;
	v12 =	vnsel vm8, $0x0, v5;
	v11 =	vmin.u32 v9, $0x1869F;
	[tilespmem:$0x30] =	vst v8  }
0x2c: {  	v16 =	vld [tilespmem:$0xC0];
	vm10 =	vgt.s32 v7, $0x0;
	v15 =	vnsel vm9, $0x0, v6;
	v14 =	vmin.u32 v12, $0x1869F;
	[tilespmem:$0x40] =	vst v11  }
0x2d: {  	v19 =	vld [tilespmem:$0xD0];
	vm11 =	vgt.s32 v60, $0x0;
	v18 =	vnsel vm10, $0x0, v7;
	v17 =	vmin.u32 v15, $0x1869F;
	[tilespmem:$0x50] =	vst v14  }
0x2e: {  	v22 =	vld [tilespmem:$0xE0];
	vm12 =	vgt.s32 v63, $0x0;
	v21 =	vnsel vm11, $0x0, v60;
	v20 =	vmin.u32 v18, $0x1869F;
	[tilespmem:$0x60] =	vst v17  }
0x2f: {  	v25 =	vld [tilespmem:$0xF0];
	vm13 =	vgt.s32 v10, $0x0;
	v24 =	vnsel vm12, $0x0, v63;
	v23 =	vmin.u32 v21, $0x1869F;
	[tilespmem:$0x70] =	vst v20  }
0x30: {  	v28 =	vld [tilespmem:$0x100];
	vm14 =	vgt.s32 v13, $0x0;
	v27 =	vnsel vm13, $0x0, v10;
	v26 =	vmin.u32 v24, $0x1869F;
	[tilespmem:$0x80] =	vst v23  }
0x31: {  	v31 =	vld [tilespmem:$0x110];
	vm15 =	vgt.s32 v16, $0x0;
	v30 =	vnsel vm14, $0x0, v13;
	v29 =	vmin.u32 v27, $0x1869F;
	[tilespmem:$0x90] =	vst v26  }
0x32: {  	v34 =	vld [tilespmem:$0x120];
	v33 =	vnsel vm15, $0x0, v16;
	vm4 =	vgt.s32 v19, $0x0;
	v32 =	vmin.u32 v30, $0x1869F;
	[tilespmem:$0xA0] =	vst v29  }
0x33: {  	v37 =	vld [tilespmem:$0x130];
	vm5 =	vgt.s32 v22, $0x0;
	v35 =	vmin.u32 v33, $0x1869F;
	v36 =	vnsel vm4, $0x0, v19;
	[tilespmem:$0xB0] =	vst v32  }
0x34: {  	v40 =	vld [tilespmem:$0x140];
	vm6 =	vgt.s32 v25, $0x0;
	v39 =	vnsel vm5, $0x0, v22;
	[tilespmem:$0xC0] =	vst v35;
	v38 =	vmin.u32 v36, $0x1869F  }
0x35: {  	v46 =	vld [tilespmem:$0x160];
	vm7 =	vgt.s32 v28, $0x0;
	v42 =	vnsel vm6, $0x0, v25;
	v41 =	vmin.u32 v39, $0x1869F;
	[tilespmem:$0xD0] =	vst v38  }
0x36: {  	v49 =	vld [tilespmem:$0x170];
	vm8 =	vgt.s32 v31, $0x0;
	v45 =	vnsel vm7, $0x0, v28;
	v44 =	vmin.u32 v42, $0x1869F;
	[tilespmem:$0xE0] =	vst v41  }
0x37: {  	v52 =	vld [tilespmem:$0x180];
	vm9 =	vgt.s32 v34, $0x0;
	v48 =	vnsel vm8, $0x0, v31;
	v47 =	vmin.u32 v45, $0x1869F;
	[tilespmem:$0xF0] =	vst v44  }
0x38: {  	v43 =	vld [tilespmem:$0x150];
	vm10 =	vgt.s32 v37, $0x0;
	v51 =	vnsel vm9, $0x0, v34;
	v50 =	vmin.u32 v48, $0x1869F;
	[tilespmem:$0x100] =	vst v47  }
0x39: {  	vm11 =	vgt.s32 v40, $0x0;
	v54 =	vnsel vm10, $0x0, v37;
	v53 =	vmin.u32 v51, $0x1869F;
	[tilespmem:$0x110] =	vst v50  }
0x3a: {  	vm13 =	vgt.s32 v46, $0x0;
	v56 =	vnsel vm11, $0x0, v40;
	v55 =	vmin.u32 v54, $0x1869F;
	[tilespmem:$0x120] =	vst v53  }
0x3b: {  	vm14 =	vgt.s32 v49, $0x0;
	v60 =	vnsel vm13, $0x0, v46;
	v57 =	vmin.u32 v56, $0x1869F;
	[tilespmem:$0x130] =	vst v55  }
0x3c: {  	vm15 =	vgt.s32 v52, $0x0;
	v62 =	vnsel vm14, $0x0, v49;
	v61 =	vmin.u32 v60, $0x1869F;
	[tilespmem:$0x140] =	vst v57  }
0x3d: {  	vm12 =	vgt.s32 v43, $0x0;
	v63 =	vnsel vm15, $0x0, v52;
	v1 =	vmin.u32 v62, $0x1869F;
	[tilespmem:$0x160] =	vst v61  }
0x3e: {  	v58 =	vnsel vm12, $0x0, v43;
	v0 =	vmin.u32 v63, $0x1869F;
	[tilespmem:$0x170] =	vst v1  }
0x3f: {  	v59 =	vmin.u32 v58, $0x1869F;
	[tilespmem:$0x180] =	vst v0  }
0x40: {  	[tilespmem:$0x150] =	vst v59  }
0x41: {  	[tilespmem:s12], [sflag:$0x2] =	stream.indirect.gather [hbm4b:s3+s11], $0x40, s2, s11, $0xb8;
	[tilespmem:$0x130B0] =	vst v63  }
0x42: {  	_ = 	snop  }
0x43: {  	[tilespmem:s14], [sflag:$0x2] =	stream.indirect.gather [hbm4b:s3+s13], $0x40, s11, s13, $0xb8;
	[tilespmem:$0x130B0] =	vst v63  }
0x44: {  	_ = 	snop  }
0x45: {  	[tilespmem:s16], [sflag:$0x2] =	stream.indirect.gather [hbm4b:s3+s11], $0x40, s15, s11, $0xb8;
	[tilespmem:$0x130B0] =	vst v63  }
0x46: {  	_ = 	snop  }
0x47: {  	[tilespmem:s18], [sflag:$0x2] =	stream.indirect.gather [hbm4b:s3+s13], $0x40, s17, s13, $0xb8;
	[tilespmem:$0x130B0] =	vst v63  }
0x48: {  	s29 =	smov.u32 s9;
	s30 =	simm.s32 $0x0;
	s0 =	rddreg [dreg:$0x10]  }
0x49: {  	[tilespmem:s19], [sflag:$0x1] =	stream.linear.gather [hbm4b:s0+s2], $0x190, $0x38;
	[tilespmem:$0x130B0] =	vst v63  }
.LBB2_2:
0x4a: {  	p0 =	seq.s32 s30, $0x0  }
0x4b: {  	s31 =	simm.s32 @!p0 $0x3  }
0x4c: {  	_ =	swait.ge @!p0 [sflag:s31], $0x6400  }
0x4d: {  	[sflag:s31] =	ssyncset.done @!p0 $0x0  }
0x4e: {  	[sflag:s31] =	ssyncadd.s32 @!p0 $0xFFFF9C00  }
0x4f: {  	_ =	swait.ge [sflag:s10], $0x190  }
0x50: {  	[sflag:s10] =	ssyncset.done $0x0  }
0x51: {  	[sflag:s10] =	ssyncadd.s32 $0xFFFFFE70  }
0x52: {  	v0 =	vld [tilespmem:$0x190]  }
0x53: {  	v1 =	vld [tilespmem:$0x1A0]  }
0x54: {  	v2 =	vld [tilespmem:$0x1B0]  }
0x55: {  	v3 =	vld [tilespmem:$0x1C0]  }
0x56: {  	v4 =	vld [tilespmem:$0x1D0]  }
0x57: {  	v5 =	vld [tilespmem:$0x1E0];
	vm0 =	vgt.s32 v0, $0x0  }
0x58: {  	v6 =	vld [tilespmem:$0x1F0];
	vm14 =	vgt.s32 v1, $0x0;
	v0 =	vnsel vm0, $0x0, v0  }
0x59: {  	v7 =	vld [tilespmem:$0x200];
	vm15 =	vgt.s32 v2, $0x0;
	v1 =	vnsel vm14, $0x0, v1;
	v0 =	vmin.u32 v0, $0x1869F  }
0x5a: {  	v27 =	vld [tilespmem:$0x210];
	vm4 =	vgt.s32 v3, $0x0;
	v26 =	vnsel vm15, $0x0, v2;
	v25 =	vmin.u32 v1, $0x1869F;
	[tilespmem:$0x190] =	vst v0  }
0x5b: {  	v30 =	vld [tilespmem:$0x220];
	vm5 =	vgt.s32 v4, $0x0;
	v29 =	vnsel vm4, $0x0, v3;
	v28 =	vmin.u32 v26, $0x1869F;
	[tilespmem:$0x1A0] =	vst v25  }
0x5c: {  	v33 =	vld [tilespmem:$0x230];
	vm6 =	vgt.s32 v5, $0x0;
	v32 =	vnsel vm5, $0x0, v4;
	v31 =	vmin.u32 v29, $0x1869F;
	[tilespmem:$0x1B0] =	vst v28  }
0x5d: {  	v36 =	vld [tilespmem:$0x240];
	vm7 =	vgt.s32 v6, $0x0;
	v35 =	vnsel vm6, $0x0, v5;
	v34 =	vmin.u32 v32, $0x1869F;
	[tilespmem:$0x1C0] =	vst v31  }
0x5e: {  	v39 =	vld [tilespmem:$0x250];
	vm8 =	vgt.s32 v7, $0x0;
	v38 =	vnsel vm7, $0x0, v6;
	v37 =	vmin.u32 v35, $0x1869F;
	[tilespmem:$0x1D0] =	vst v34  }
0x5f: {  	v42 =	vld [tilespmem:$0x260];
	vm9 =	vgt.s32 v27, $0x0;
	v41 =	vnsel vm8, $0x0, v7;
	v40 =	vmin.u32 v38, $0x1869F;
	[tilespmem:$0x1E0] =	vst v37  }
0x60: {  	v45 =	vld [tilespmem:$0x270];
	vm10 =	vgt.s32 v30, $0x0;
	v44 =	vnsel vm9, $0x0, v27;
	v43 =	vmin.u32 v41, $0x1869F;
	[tilespmem:$0x1F0] =	vst v40  }
0x61: {  	v48 =	vld [tilespmem:$0x280];
	vm11 =	vgt.s32 v33, $0x0;
	v47 =	vnsel vm10, $0x0, v30;
	v46 =	vmin.u32 v44, $0x1869F;
	[tilespmem:$0x200] =	vst v43  }
0x62: {  	v51 =	vld [tilespmem:$0x290];
	vm12 =	vgt.s32 v36, $0x0;
	v50 =	vnsel vm11, $0x0, v33;
	v49 =	vmin.u32 v47, $0x1869F;
	[tilespmem:$0x210] =	vst v46  }
0x63: {  	v54 =	vld [tilespmem:$0x2A0];
	vm13 =	vgt.s32 v39, $0x0;
	v53 =	vnsel vm12, $0x0, v36;
	v52 =	vmin.u32 v50, $0x1869F;
	[tilespmem:$0x220] =	vst v49  }
0x64: {  	v57 =	vld [tilespmem:$0x2B0];
	v56 =	vnsel vm13, $0x0, v39;
	vm14 =	vgt.s32 v42, $0x0;
	v55 =	vmin.u32 v53, $0x1869F;
	[tilespmem:$0x230] =	vst v52  }
0x65: {  	v60 =	vld [tilespmem:$0x2C0];
	vm15 =	vgt.s32 v45, $0x0;
	v58 =	vmin.u32 v56, $0x1869F;
	v59 =	vnsel vm14, $0x0, v42;
	[tilespmem:$0x240] =	vst v55  }
0x66: {  	v63 =	vld [tilespmem:$0x2D0];
	vm4 =	vgt.s32 v48, $0x0;
	v62 =	vnsel vm15, $0x0, v45;
	[tilespmem:$0x250] =	vst v58;
	v61 =	vmin.u32 v59, $0x1869F  }
0x67: {  	v11 =	vld [tilespmem:$0x2E0];
	vm5 =	vgt.s32 v51, $0x0;
	v10 =	vnsel vm4, $0x0, v48;
	v9 =	vmin.u32 v62, $0x1869F;
	[tilespmem:$0x260] =	vst v61  }
0x68: {  	v17 =	vld [tilespmem:$0x300];
	vm6 =	vgt.s32 v54, $0x0;
	v13 =	vnsel vm5, $0x0, v51;
	v12 =	vmin.u32 v10, $0x1869F;
	[tilespmem:$0x270] =	vst v9  }
0x69: {  	v20 =	vld [tilespmem:$0x310];
	vm7 =	vgt.s32 v57, $0x0;
	v16 =	vnsel vm6, $0x0, v54;
	v15 =	vmin.u32 v13, $0x1869F;
	[tilespmem:$0x280] =	vst v12  }
0x6a: {  	v14 =	vld [tilespmem:$0x2F0];
	vm8 =	vgt.s32 v60, $0x0;
	v19 =	vnsel vm7, $0x0, v57;
	v18 =	vmin.u32 v16, $0x1869F;
	[tilespmem:$0x290] =	vst v15  }
0x6b: {  	vm9 =	vgt.s32 v63, $0x0;
	v22 =	vnsel vm8, $0x0, v60;
	v21 =	vmin.u32 v19, $0x1869F;
	[tilespmem:$0x2A0] =	vst v18  }
0x6c: {  	vm10 =	vgt.s32 v11, $0x0;
	v24 =	vnsel vm9, $0x0, v63;
	v23 =	vmin.u32 v22, $0x1869F;
	[tilespmem:$0x2B0] =	vst v21  }
0x6d: {  	vm12 =	vgt.s32 v17, $0x0;
	v26 =	vnsel vm10, $0x0, v11;
	v25 =	vmin.u32 v24, $0x1869F;
	[tilespmem:$0x2C0] =	vst v23  }
0x6e: {  	vm13 =	vgt.s32 v20, $0x0;
	v30 =	vnsel vm12, $0x0, v17;
	v27 =	vmin.u32 v26, $0x1869F;
	[tilespmem:$0x2D0] =	vst v25  }
0x6f: {  	vm11 =	vgt.s32 v14, $0x0;
	v32 =	vnsel vm13, $0x0, v20;
	v31 =	vmin.u32 v30, $0x1869F;
	[tilespmem:$0x2E0] =	vst v27  }
0x70: {  	v28 =	vnsel vm11, $0x0, v14;
	v33 =	vmin.u32 v32, $0x1869F;
	[tilespmem:$0x300] =	vst v31  }
0x71: {  	s1 =	rddreg [dreg:$0x4];
	v29 =	vmin.u32 v28, $0x1869F;
	[tilespmem:$0x310] =	vst v33  }
0x72: {  	s0 =	rddreg [dreg:$0x5];
	[tilespmem:$0x2F0] =	vst v29  }
0x73: {  	[tilespmem:s20], [sflag:$0x2] =	stream.indirect.gather [hbm4b:s3+s11], $0x40, s19, s11, $0xb8;
	[tilespmem:$0x130B0] =	vst v63  }
0x74: {  	s5 =	rddreg [dreg:$0x8]  }
0x75: {  	[tilespmem:s0], [sflag:$0x2] =	stream.indirect.gather [hbm4b:s3+s13], $0x40, s1, s13, $0xb8;
	[tilespmem:$0x130B0] =	vst v63  }
0x76: {  	s0 =	rddreg [dreg:$0x6]  }
0x77: {  	s1 =	rddreg [dreg:$0x7]  }
0x78: {  	[tilespmem:s1], [sflag:$0x2] =	stream.indirect.gather [hbm4b:s3+s11], $0x40, s0, s11, $0xb8;
	[tilespmem:$0x130B0] =	vst v63  }
0x79: {  	s6 =	rddreg [dreg:$0x9]  }
0x7a: {  	[tilespmem:s6], [sflag:$0x2] =	stream.indirect.gather [hbm4b:s3+s13], $0x40, s5, s13, $0xb8;
	[tilespmem:$0x130B0] =	vst v63  }
0x7b: {  	_ =	swait.ge [sflag:s21], $0x6400  }
0x7c: {  	s1 =	sadd.s32 s30, s8;
	[sflag:s21] =	ssyncset.done $0x0  }
0x7d: {  	s6 =	sadd.s32 $0x64, s1;
	[sflag:s21] =	ssyncadd.s32 $0xFFFF9C00  }
0x7e: {  	[tilespmem:s22], [sflag:$0x1] =	stream.linear.gather [hbm4b:s6+s2], $0x190, $0x38;
	[tilespmem:$0x130B0] =	vst v63  }
0x7f: {  	s5 =	sadd.s32 $0xFFFFE700, s29  }
0x80: {  	[hbm4b:s5+s23] =	stream.strided.scatter [tilespmem:s12], [sflag:$0x3], $0x6400, s24, s23, $0x38;
	[tilespmem:$0x130B0] =	vst v63  }
0x81: {  	_ =	swait.ge @!p0 [sflag:s31], $0x6400  }
0x82: {  	[sflag:s31] =	ssyncset.done @!p0 $0x0  }
0x83: {  	[sflag:s31] =	ssyncadd.s32 @!p0 $0xFFFF9C00  }
0x84: {  	_ =	swait.ge [sflag:s10], $0x190  }
0x85: {  	[sflag:s10] =	ssyncset.done $0x0  }
0x86: {  	[sflag:s10] =	ssyncadd.s32 $0xFFFFFE70  }
0x87: {  	v34 =	vld [tilespmem:$0x320]  }
0x88: {  	v35 =	vld [tilespmem:$0x330]  }
0x89: {  	v36 =	vld [tilespmem:$0x340]  }
0x8a: {  	v37 =	vld [tilespmem:$0x350]  }
0x8b: {  	v38 =	vld [tilespmem:$0x360]  }
0x8c: {  	v39 =	vld [tilespmem:$0x370];
	vm14 =	vgt.s32 v34, $0x0  }
0x8d: {  	v40 =	vld [tilespmem:$0x380];
	vm15 =	vgt.s32 v35, $0x0;
	v0 =	vnsel vm14, $0x0, v34  }
0x8e: {  	v41 =	vld [tilespmem:$0x390];
	vm4 =	vgt.s32 v36, $0x0;
	v1 =	vnsel vm15, $0x0, v35;
	v0 =	vmin.u32 v0, $0x1869F  }
0x8f: {  	v44 =	vld [tilespmem:$0x3A0];
	vm5 =	vgt.s32 v37, $0x0;
	v43 =	vnsel vm4, $0x0, v36;
	v42 =	vmin.u32 v1, $0x1869F;
	[tilespmem:$0x320] =	vst v0  }
0x90: {  	v47 =	vld [tilespmem:$0x3B0];
	vm6 =	vgt.s32 v38, $0x0;
	v46 =	vnsel vm5, $0x0, v37;
	v45 =	vmin.u32 v43, $0x1869F;
	[tilespmem:$0x330] =	vst v42  }
0x91: {  	v50 =	vld [tilespmem:$0x3C0];
	vm7 =	vgt.s32 v39, $0x0;
	v49 =	vnsel vm6, $0x0, v38;
	v48 =	vmin.u32 v46, $0x1869F;
	[tilespmem:$0x340] =	vst v45  }
0x92: {  	v53 =	vld [tilespmem:$0x3D0];
	vm8 =	vgt.s32 v40, $0x0;
	v52 =	vnsel vm7, $0x0, v39;
	v51 =	vmin.u32 v49, $0x1869F;
	[tilespmem:$0x350] =	vst v48  }
0x93: {  	v56 =	vld [tilespmem:$0x3E0];
	vm9 =	vgt.s32 v41, $0x0;
	v55 =	vnsel vm8, $0x0, v40;
	v54 =	vmin.u32 v52, $0x1869F;
	[tilespmem:$0x360] =	vst v51  }
0x94: {  	v59 =	vld [tilespmem:$0x3F0];
	vm10 =	vgt.s32 v44, $0x0;
	v58 =	vnsel vm9, $0x0, v41;
	v57 =	vmin.u32 v55, $0x1869F;
	[tilespmem:$0x370] =	vst v54  }
0x95: {  	v62 =	vld [tilespmem:$0x400];
	vm11 =	vgt.s32 v47, $0x0;
	v61 =	vnsel vm10, $0x0, v44;
	v60 =	vmin.u32 v58, $0x1869F;
	[tilespmem:$0x380] =	vst v57  }
0x96: {  	v9 =	vld [tilespmem:$0x410];
	vm12 =	vgt.s32 v50, $0x0;
	v8 =	vnsel vm11, $0x0, v47;
	v63 =	vmin.u32 v61, $0x1869F;
	[tilespmem:$0x390] =	vst v60  }
0x97: {  	v12 =	vld [tilespmem:$0x420];
	vm13 =	vgt.s32 v53, $0x0;
	v11 =	vnsel vm12, $0x0, v50;
	v10 =	vmin.u32 v8, $0x1869F;
	[tilespmem:$0x3A0] =	vst v63  }
0x98: {  	v15 =	vld [tilespmem:$0x430];
	v14 =	vnsel vm13, $0x0, v53;
	vm14 =	vgt.s32 v56, $0x0;
	v13 =	vmin.u32 v11, $0x1869F;
	[tilespmem:$0x3B0] =	vst v10  }
0x99: {  	v18 =	vld [tilespmem:$0x440];
	vm15 =	vgt.s32 v59, $0x0;
	v16 =	vmin.u32 v14, $0x1869F;
	v17 =	vnsel vm14, $0x0, v56;
	[tilespmem:$0x3C0] =	vst v13  }
0x9a: {  	v21 =	vld [tilespmem:$0x450];
	vm4 =	vgt.s32 v62, $0x0;
	v20 =	vnsel vm15, $0x0, v59;
	[tilespmem:$0x3D0] =	vst v16;
	v19 =	vmin.u32 v17, $0x1869F  }
0x9b: {  	v24 =	vld [tilespmem:$0x460];
	vm5 =	vgt.s32 v9, $0x0;
	v23 =	vnsel vm4, $0x0, v62;
	v22 =	vmin.u32 v20, $0x1869F;
	[tilespmem:$0x3E0] =	vst v19  }
0x9c: {  	v30 =	vld [tilespmem:$0x480];
	vm6 =	vgt.s32 v12, $0x0;
	v26 =	vnsel vm5, $0x0, v9;
	v25 =	vmin.u32 v23, $0x1869F;
	[tilespmem:$0x3F0] =	vst v22  }
0x9d: {  	v33 =	vld [tilespmem:$0x490];
	vm7 =	vgt.s32 v15, $0x0;
	v29 =	vnsel vm6, $0x0, v12;
	v28 =	vmin.u32 v26, $0x1869F;
	[tilespmem:$0x400] =	vst v25  }
0x9e: {  	v27 =	vld [tilespmem:$0x470];
	vm8 =	vgt.s32 v18, $0x0;
	v32 =	vnsel vm7, $0x0, v15;
	v31 =	vmin.u32 v29, $0x1869F;
	[tilespmem:$0x410] =	vst v28  }
0x9f: {  	vm9 =	vgt.s32 v21, $0x0;
	v36 =	vld [tilespmem:$0x4A0];
	v35 =	vnsel vm8, $0x0, v18;
	v34 =	vmin.u32 v32, $0x1869F;
	[tilespmem:$0x420] =	vst v31  }
0xa0: {  	vm10 =	vgt.s32 v24, $0x0;
	v38 =	vnsel vm9, $0x0, v21;
	v37 =	vmin.u32 v35, $0x1869F;
	[tilespmem:$0x430] =	vst v34  }
0xa1: {  	vm12 =	vgt.s32 v30, $0x0;
	v40 =	vnsel vm10, $0x0, v24;
	v39 =	vmin.u32 v38, $0x1869F;
	[tilespmem:$0x440] =	vst v37  }
0xa2: {  	vm13 =	vgt.s32 v33, $0x0;
	v44 =	vnsel vm12, $0x0, v30;
	v41 =	vmin.u32 v40, $0x1869F;
	[tilespmem:$0x450] =	vst v39  }
0xa3: {  	vm11 =	vgt.s32 v27, $0x0;
	v46 =	vnsel vm13, $0x0, v33;
	v45 =	vmin.u32 v44, $0x1869F;
	[tilespmem:$0x460] =	vst v41  }
0xa4: {  	v42 =	vnsel vm11, $0x0, v27;
	v47 =	vmin.u32 v46, $0x1869F;
	[tilespmem:$0x480] =	vst v45;
	vm14 =	vgt.s32 v36, $0x0  }
0xa5: {  	s6 =	rddreg [dreg:$0xa];
	v43 =	vmin.u32 v42, $0x1869F;
	[tilespmem:$0x490] =	vst v47;
	v48 =	vnsel vm14, $0x0, v36  }
0xa6: {  	s31 =	rddreg [dreg:$0xb];
	[tilespmem:$0x470] =	vst v43;
	v49 =	vmin.u32 v48, $0x1869F  }
0xa7: {  	s0 =	rddreg [dreg:$0xc];
	[tilespmem:$0x4A0] =	vst v49  }
0xa8: {  	[tilespmem:s25], [sflag:$0x2] =	stream.indirect.gather [hbm4b:s3+s11], $0x40, s22, s11, $0xb8;
	[tilespmem:$0x130B0] =	vst v63  }
0xa9: {  	s5 =	rddreg [dreg:$0xd]  }
0xaa: {  	[tilespmem:s31], [sflag:$0x2] =	stream.indirect.gather [hbm4b:s3+s13], $0x40, s6, s13, $0xb8;
	[tilespmem:$0x130B0] =	vst v63  }
0xab: {  	s6 =	rddreg [dreg:$0xe]  }
0xac: {  	[tilespmem:s5], [sflag:$0x2] =	stream.indirect.gather [hbm4b:s3+s11], $0x40, s0, s11, $0xb8;
	[tilespmem:$0x130B0] =	vst v63  }
0xad: {  	s31 =	rddreg [dreg:$0xf]  }
0xae: {  	[tilespmem:s31], [sflag:$0x2] =	stream.indirect.gather [hbm4b:s3+s13], $0x40, s6, s13, $0xb8;
	[tilespmem:$0x130B0] =	vst v63  }
0xaf: {  	_ =	swait.ge [sflag:s21], $0x6400  }
0xb0: {  	[sflag:s21] =	ssyncset.done $0x0  }
0xb1: {  	s6 =	sadd.s32 $0x96, s1;
	[sflag:s21] =	ssyncadd.s32 $0xFFFF9C00  }
0xb2: {  	[tilespmem:s2], [sflag:$0x1] =	stream.linear.gather [hbm4b:s6+s2], $0x190, $0x38;
	[tilespmem:$0x130B0] =	vst v63  }
0xb3: {  	_ = 	snop  }
0xb4: {  	[hbm4b:s29+s23] =	stream.strided.scatter [tilespmem:s20], [sflag:$0x3], $0x6400, s24, s23, $0x38;
	[tilespmem:$0x130B0] =	vst v63  }
0xb5: {  	_ =	swait.ge [sflag:s26], $0x6400  }
0xb6: {  	[sflag:s26] =	ssyncset.done $0x0  }
0xb7: {  	[sflag:s26] =	ssyncadd.s32 $0xFFFF9C00  }
0xb8: {  	_ =	swait.ge [sflag:s10], $0x190  }
0xb9: {  	[sflag:s10] =	ssyncset.done $0x0  }
0xba: {  	[sflag:s10] =	ssyncadd.s32 $0xFFFFFE70  }
0xbb: {  	v50 =	vld [tilespmem:$0x0]  }
0xbc: {  	v51 =	vld [tilespmem:$0x10]  }
0xbd: {  	v52 =	vld [tilespmem:$0x20]  }
0xbe: {  	v53 =	vld [tilespmem:$0x30]  }
0xbf: {  	v54 =	vld [tilespmem:$0x40]  }
0xc0: {  	v55 =	vld [tilespmem:$0x50];
	vm15 =	vgt.s32 v50, $0x0  }
0xc1: {  	v56 =	vld [tilespmem:$0x60];
	vm4 =	vgt.s32 v51, $0x0;
	v0 =	vnsel vm15, $0x0, v50  }
0xc2: {  	v57 =	vld [tilespmem:$0x70];
	vm5 =	vgt.s32 v52, $0x0;
	v1 =	vnsel vm4, $0x0, v51;
	v0 =	vmin.u32 v0, $0x1869F  }
0xc3: {  	v60 =	vld [tilespmem:$0x80];
	vm6 =	vgt.s32 v53, $0x0;
	v59 =	vnsel vm5, $0x0, v52;
	v58 =	vmin.u32 v1, $0x1869F;
	[tilespmem:$0x0] =	vst v0  }
0xc4: {  	v63 =	vld [tilespmem:$0x90];
	vm7 =	vgt.s32 v54, $0x0;
	v62 =	vnsel vm6, $0x0, v53;
	v61 =	vmin.u32 v59, $0x1869F;
	[tilespmem:$0x10] =	vst v58  }
0xc5: {  	v10 =	vld [tilespmem:$0xA0];
	vm8 =	vgt.s32 v55, $0x0;
	v9 =	vnsel vm7, $0x0, v54;
	v8 =	vmin.u32 v62, $0x1869F;
	[tilespmem:$0x20] =	vst v61  }
0xc6: {  	v13 =	vld [tilespmem:$0xB0];
	vm9 =	vgt.s32 v56, $0x0;
	v12 =	vnsel vm8, $0x0, v55;
	v11 =	vmin.u32 v9, $0x1869F;
	[tilespmem:$0x30] =	vst v8  }
0xc7: {  	v16 =	vld [tilespmem:$0xC0];
	vm10 =	vgt.s32 v57, $0x0;
	v15 =	vnsel vm9, $0x0, v56;
	v14 =	vmin.u32 v12, $0x1869F;
	[tilespmem:$0x40] =	vst v11  }
0xc8: {  	v19 =	vld [tilespmem:$0xD0];
	vm11 =	vgt.s32 v60, $0x0;
	v18 =	vnsel vm10, $0x0, v57;
	v17 =	vmin.u32 v15, $0x1869F;
	[tilespmem:$0x50] =	vst v14  }
0xc9: {  	v22 =	vld [tilespmem:$0xE0];
	vm12 =	vgt.s32 v63, $0x0;
	v21 =	vnsel vm11, $0x0, v60;
	v20 =	vmin.u32 v18, $0x1869F;
	[tilespmem:$0x60] =	vst v17  }
0xca: {  	v25 =	vld [tilespmem:$0xF0];
	vm13 =	vgt.s32 v10, $0x0;
	v24 =	vnsel vm12, $0x0, v63;
	v23 =	vmin.u32 v21, $0x1869F;
	[tilespmem:$0x70] =	vst v20  }
0xcb: {  	v28 =	vld [tilespmem:$0x100];
	vm14 =	vgt.s32 v13, $0x0;
	v27 =	vnsel vm13, $0x0, v10;
	v26 =	vmin.u32 v24, $0x1869F;
	[tilespmem:$0x80] =	vst v23  }
0xcc: {  	v31 =	vld [tilespmem:$0x110];
	v30 =	vnsel vm14, $0x0, v13;
	vm15 =	vgt.s32 v16, $0x0;
	v29 =	vmin.u32 v27, $0x1869F;
	[tilespmem:$0x90] =	vst v26  }
0xcd: {  	v34 =	vld [tilespmem:$0x120];
	vm4 =	vgt.s32 v19, $0x0;
	v32 =	vmin.u32 v30, $0x1869F;
	v33 =	vnsel vm15, $0x0, v16;
	[tilespmem:$0xA0] =	vst v29  }
0xce: {  	v37 =	vld [tilespmem:$0x130];
	vm5 =	vgt.s32 v22, $0x0;
	v36 =	vnsel vm4, $0x0, v19;
	[tilespmem:$0xB0] =	vst v32;
	v35 =	vmin.u32 v33, $0x1869F  }
0xcf: {  	v40 =	vld [tilespmem:$0x140];
	vm6 =	vgt.s32 v25, $0x0;
	v39 =	vnsel vm5, $0x0, v22;
	v38 =	vmin.u32 v36, $0x1869F;
	[tilespmem:$0xC0] =	vst v35  }
0xd0: {  	v46 =	vld [tilespmem:$0x160];
	vm7 =	vgt.s32 v28, $0x0;
	v42 =	vnsel vm6, $0x0, v25;
	v41 =	vmin.u32 v39, $0x1869F;
	[tilespmem:$0xD0] =	vst v38  }
0xd1: {  	v49 =	vld [tilespmem:$0x170];
	vm8 =	vgt.s32 v31, $0x0;
	v45 =	vnsel vm7, $0x0, v28;
	v44 =	vmin.u32 v42, $0x1869F;
	[tilespmem:$0xE0] =	vst v41  }
0xd2: {  	v43 =	vld [tilespmem:$0x150];
	vm9 =	vgt.s32 v34, $0x0;
	v48 =	vnsel vm8, $0x0, v31;
	v47 =	vmin.u32 v45, $0x1869F;
	[tilespmem:$0xF0] =	vst v44  }
0xd3: {  	vm10 =	vgt.s32 v37, $0x0;
	v52 =	vld [tilespmem:$0x180];
	v51 =	vnsel vm9, $0x0, v34;
	v50 =	vmin.u32 v48, $0x1869F;
	[tilespmem:$0x100] =	vst v47  }
0xd4: {  	vm11 =	vgt.s32 v40, $0x0;
	v54 =	vnsel vm10, $0x0, v37;
	v53 =	vmin.u32 v51, $0x1869F;
	[tilespmem:$0x110] =	vst v50  }
0xd5: {  	vm13 =	vgt.s32 v46, $0x0;
	v56 =	vnsel vm11, $0x0, v40;
	v55 =	vmin.u32 v54, $0x1869F;
	[tilespmem:$0x120] =	vst v53  }
0xd6: {  	vm14 =	vgt.s32 v49, $0x0;
	v60 =	vnsel vm13, $0x0, v46;
	v57 =	vmin.u32 v56, $0x1869F;
	[tilespmem:$0x130] =	vst v55  }
0xd7: {  	vm12 =	vgt.s32 v43, $0x0;
	v62 =	vnsel vm14, $0x0, v49;
	v61 =	vmin.u32 v60, $0x1869F;
	[tilespmem:$0x140] =	vst v57  }
0xd8: {  	v58 =	vnsel vm12, $0x0, v43;
	v1 =	vmin.u32 v62, $0x1869F;
	[tilespmem:$0x160] =	vst v61;
	vm15 =	vgt.s32 v52, $0x0  }
0xd9: {  	v59 =	vmin.u32 v58, $0x1869F;
	[tilespmem:$0x170] =	vst v1;
	v63 =	vnsel vm15, $0x0, v52  }
0xda: {  	[tilespmem:$0x150] =	vst v59;
	v0 =	vmin.u32 v63, $0x1869F  }
0xdb: {  	[tilespmem:$0x180] =	vst v0  }
0xdc: {  	[tilespmem:s12], [sflag:$0x2] =	stream.indirect.gather [hbm4b:s3+s11], $0x40, s2, s11, $0xb8;
	[tilespmem:$0x130B0] =	vst v63  }
0xdd: {  	_ = 	snop  }
0xde: {  	[tilespmem:s14], [sflag:$0x2] =	stream.indirect.gather [hbm4b:s3+s13], $0x40, s11, s13, $0xb8;
	[tilespmem:$0x130B0] =	vst v63  }
0xdf: {  	_ = 	snop  }
0xe0: {  	[tilespmem:s16], [sflag:$0x2] =	stream.indirect.gather [hbm4b:s3+s11], $0x40, s15, s11, $0xb8;
	[tilespmem:$0x130B0] =	vst v63  }
0xe1: {  	p0 =	seq.s32 s30, $0xBB8  }
0xe2: {  	[tilespmem:s18], [sflag:$0x2] =	stream.indirect.gather [hbm4b:s3+s13], $0x40, s17, s13, $0xb8;
	[tilespmem:$0x130B0] =	vst v63  }
0xe3: {  	s0 =	sadd.s32 @!p0 s30, s8;
	_ =	swait.ge [sflag:s21], $0x6400  }
0xe4: {  	s5 =	simm.s32 @!p0 $0x190;
	s30 =	sadd.s32 $0x96, s30;
	[sflag:s21] =	ssyncset.done $0x0  }
0xe5: {  	s0 =	sadd.s32 @!p0 $0xC8, s0;
	s1 =	simm.s32 @!p0 $0x0;
	[sflag:s21] =	ssyncadd.s32 $0xFFFF9C00  }
0xe6: {  	[tilespmem:s5], [sflag:$0x1] =	stream.linear.gather @!p0 [hbm4b:s0+s1], $0x190, $0x38;
	[tilespmem:$0x130B0] =	vst v63  }
0xe7: {  	p0 =	sne.s32 s30, $0xC4E  }
.Ltmp0:
0xe8: {  	_ = 	snop;
	(pc) =	sbr.rel @p0 .LBB2_2-.Ltmp0, $3  }
0xe9: {  	_ =	sdelay $0x1  }
0xea: {  	s31 =	sadd.s32 $0x1900, s29;
	s29 =	sadd.s32 $0x4B00, s29  }
0xeb: {  	[hbm4b:s31+s23] =	stream.strided.scatter [tilespmem:s25], [sflag:$0x3], $0x6400, s24, s23, $0x38;
	[tilespmem:$0x130B0] =	vst v63  }
0xec: {  	_ =	swait.ge [sflag:s26], $0x6400  }
0xed: {  	[sflag:s26] =	ssyncset.done $0x0  }
0xee: {  	[sflag:s26] =	ssyncadd.s32 $0xFFFF9C00  }
0xef: {  	_ =	swait.ge [sflag:s21], $0x6400  }
0xf0: {  	[sflag:s21] =	ssyncset.done $0x0  }
0xf1: {  	s28 =	sadd.s32 $0x1, s28;
	s0 =	rddreg [dreg:$0x11];
	[sflag:s21] =	ssyncadd.s32 $0xFFFF9C00  }
0xf2: {  	[hbm4b:s0+s23] =	stream.strided.scatter [tilespmem:s12], [sflag:$0x3], $0x6400, s24, s23, $0x38;
	[tilespmem:$0x130B0] =	vst v63  }
0xf3: {  	p0 =	sne.s32 s28, s7;
	_ =	swait.ge [sflag:s26], $0x6400  }
.Ltmp1:
0xf4: {  	[sflag:s26] =	ssyncset.done $0x0;
	(pc) =	sbr.rel @p0 .LBB2_1-.Ltmp1, $4  }
0xf5: {  	[sflag:s26] =	ssyncadd.s32 $0xFFFF9C00  }
0xf6: {  	_ =	swait.ge [sflag:s26], $0x6400  }
0xf7: {  	[sflag:s26] =	ssyncset.done $0x0  }
0xf8: {  	[sflag:s26] =	ssyncadd.s32 $0xFFFF9C00  }
0xf9: {  	_ =	sfence.sel $0x180000  }
0xfa: {  	[bflag:$0x0] =	sbarrier.arrive $0xFFFF  }
0xfb: {  	_ =	strace $0x90000047  }
0xfc: {  	s0 =	stileid.u32;
	[bflag:$0x2] =	sbarrier.arrive $0xFFFF  }
0xfd: {  	p0 =	sne.s32 s0, $0x0;
	s0 =	rddreg [dreg:$0x3]  }
0xfe: {  	s0 =	sadd.s32 @!p0 $0x100000, s0  }
0xff: {  	[sflag:s0] =	ssyncadd.tile.s32 @!p0 $0x1;
	_ =	shalt  }
.Lfunc_end2:
_tile_overlayer_lowered:
.L_overlay_start_2:
0x100: {  	(tag) =	ssettag $0x2  }
0x101: {  	s0 =	rddreg [dreg:$0x0];
	s2 =	stileid.u32  }
0x102: {  	s1 =	rddreg [dreg:$0x1];
	p0 =	sne.s32 s2, $0x0  }
0x103: {  	s3 =	rddreg [dreg:$0x2];
	[bflag:$0x3] =	sbarrier.arrive $0xFFFF;
	s2 =	simm.s32 @!p0 $0x1C04  }
0x104: {  	[timem:s3], [sflag:s2] =	dma.local @!p0 [hbm:s0], s1  }
0x105: {  	s0 =	simm.s32 @!p0 $0x4  }
0x106: {  	_ =	swait.ge @!p0 [sflag:s0], s1  }
0x107: {  	s1 =	ssub.s32 @!p0 $0x0, s1;
	[sflag:s0] =	ssyncset.done @!p0 $0x0  }
0x108: {  	[sflag:s0] =	ssyncadd.s32 @!p0 s1  }
0x109: {  	[bflag:$0x3] =	sbarrier.arrive $0xFFFF  }
0x10a: {  	_ =	shalt  }

</sc_bundles>
